<compile_context>
chip_gen: v7x
topology: tpu7x:2x2x1
jax: 0.10.2.dev20260603
libtpu: 0.0.44.dev20260713+nightly
codegen_flags: <defaults>
</compile_context>

<pallas_src>
import functools

import jax
import jax.numpy as jnp
from jax import lax
from jax.experimental import pallas as pl
from jax.experimental.pallas import tpu as pltpu
from jax.experimental.pallas import tpu_sc as plsc

NC = 2
NS = 16
NW = NC * NS
L = 16

N_PAD = 10112
ROWS_PER_TILE = N_PAD // NS
CH = 128


def _i16(v):
    return jnp.zeros((L,), jnp.int32) + v



def _sigmoid(x):
    return 0.5 * (1.0 + jnp.tanh(0.5 * x))


def _edge_mlp_body(ea, w1, b1, w2, b2, o):
    z = lax.dot_general(ea[...], w1[...], (((1,), (1,)), ((), ())),
                        preferred_element_type=jnp.float32)
    z = z + b1[...][None, :]
    z = z * _sigmoid(z)
    t = jnp.sum(z * w2[...], axis=1, keepdims=True)
    o[...] = _sigmoid(t + b2[0])


def _lin_body(h, wl, o):
    o[...] = lax.dot_general(h[...], wl[...], (((1,), (1,)), ((), ())),
                             preferred_element_type=jnp.float32)


def _dinv_body(degs, xl, dinv, xl2):
    dsum = jnp.sum(degs[...], axis=0) + 1.0
    di = lax.rsqrt(dsum)
    dinv[...] = di[:, None]
    xl2[...] = di[: xl.shape[0], None] * xl[...]


def _final_body(p, dinv, xl, bias, o):
    d = dinv[...]
    o[...] = d * ((p[0] + p[1]) + d * xl[...]) + bias[...][None, :]



def _deg_body(col_hbm, w_hbm, out_hbm, colv, wv, deg, sem):
    c = lax.axis_index("c")
    s = lax.axis_index("s")
    wid = s * NC + c
    nchunk = col_hbm.shape[0] // NW

    def zero(i, _):
        deg[pl.ds(i * L, L)] = jnp.zeros((L,), jnp.float32)
        return 0
    lax.fori_loop(0, N_PAD // L, zero, 0)

    base = wid * nchunk
    pltpu.sync_copy(col_hbm.at[pl.ds(base, nchunk)], colv)
    pltpu.sync_copy(w_hbm.at[pl.ds(base, nchunk)], wv)

    def chunk(j, _):
        for k in range(CH // L):
            idx = colv[j, pl.ds(k * L, L)]
            val = wv[j, pl.ds(k * L, L)]
            plsc.addupdate_scatter(deg, [idx], val)
        return 0
    lax.fori_loop(0, nchunk, chunk, 0)

    pltpu.sync_copy(deg, out_hbm.at[wid])


def _agg_body(row_hbm, col_hbm, w_hbm, xl2_hbm, out_hbm,
              rowv, colv, wv, rows, zbuf, acc, sem):
    c = lax.axis_index("c")
    s = lax.axis_index("s")
    wid = s * NC + c
    nchunk = row_hbm.shape[0] // NW

    def zb(i, _):
        for k in range(128 // L):
            zbuf[i, pl.ds(k * L, L)] = jnp.zeros((L,), jnp.float32)
        return 0
    lax.fori_loop(0, zbuf.shape[0], zb, 0)

    def zc(i, _):
        pltpu.sync_copy(zbuf, acc.at[pl.ds(s * ROWS_PER_TILE + i * zbuf.shape[0],
                                           zbuf.shape[0])])
        return 0
    lax.fori_loop(0, ROWS_PER_TILE // zbuf.shape[0], zc, 0)
    plsc.subcore_barrier()

    base = wid * nchunk
    pltpu.sync_copy(row_hbm.at[pl.ds(base, nchunk)], rowv)
    pltpu.sync_copy(col_hbm.at[pl.ds(base, nchunk)], colv)
    pltpu.sync_copy(w_hbm.at[pl.ds(base, nchunk)], wv)

    def chunk(j, _):
        pltpu.async_copy(xl2_hbm.at[rowv.at[j]], rows, sem).wait()

        def edge(e, _):
            ce = plsc.load_gather(wv, [_i16(j), _i16(e)])
            for k in range(128 // L):
                sl = pl.ds(k * L, L)
                rows[e, sl] = rows[e, sl] * ce
            return 0
        lax.fori_loop(0, CH, edge, 0)

        pltpu.sync_copy(rows, acc.at[colv.at[j]], add=True)
        return 0
    lax.fori_loop(0, nchunk, chunk, 0)

    plsc.subcore_barrier()
    pltpu.sync_copy(acc.at[pl.ds(s * ROWS_PER_TILE, ROWS_PER_TILE)],
                    out_hbm.at[c, pl.ds(s * ROWS_PER_TILE, ROWS_PER_TILE)])


def _agg_body_v3(row_hbm, col_hbm, w_hbm, xa_hbm, xb_hbm, out_hbm,
                 rowv, colv, wv, b0, b1, b2, b3, zbuf, acc,
                 g0, g1, g2, g3, s0, s1, s2, s3):
    c = lax.axis_index("c")
    st = lax.axis_index("s")
    wid = st * NC + c
    nch = row_hbm.shape[0] // NW
    base = wid * nch
    hid2 = acc.shape[1]
    nv = hid2 // L

    bufs = (b0, b1, b2, b3)
    gsems = (g0, g1, g2, g3)
    ssems = (s0, s1, s2, s3)

    pltpu.sync_copy(row_hbm.at[pl.ds(base, nch)], rowv)
    pltpu.sync_copy(col_hbm.at[pl.ds(base, nch)], colv)
    pltpu.sync_copy(w_hbm.at[pl.ds(base, nch)], wv)

    def zb(i, _):
        for k in range(nv):
            zbuf[i, pl.ds(k * L, L)] = jnp.zeros((L,), jnp.float32)
        return 0
    lax.fori_loop(0, zbuf.shape[0], zb, 0)

    def zero_acc():
        def zc(i, _):
            pltpu.sync_copy(
                zbuf, acc.at[pl.ds(st * ROWS_PER_TILE + i * zbuf.shape[0],
                                   zbuf.shape[0])])
            return 0
        lax.fori_loop(0, ROWS_PER_TILE // zbuf.shape[0], zc, 0)

    zero_acc()
    plsc.subcore_barrier()

    for f, xf in enumerate((xa_hbm, xb_hbm)):
        pltpu.async_copy(xf.at[rowv.at[0]], bufs[0], gsems[0])
        pltpu.async_copy(xf.at[rowv.at[1]], bufs[1], gsems[1])

        def quad(p, _):
            for q in range(4):
                m = p * 4 + q
                buf = bufs[q]
                pltpu.make_async_copy(xf.at[rowv.at[m]], buf, gsems[q]).wait()

                @plsc.parallel_loop(0, CH, unroll=8)
                def _(t):
                    ce = jnp.zeros((L,), jnp.float32) + wv[m, t]
                    for k in range(nv):
                        sl = pl.ds(k * L, L)
                        buf[t, sl] = buf[t, sl] * ce

                pltpu.async_copy(buf, acc.at[colv.at[m]], ssems[q], add=True)
                nq = (q + 2) % 4

                @pl.when(m >= 2)
                def _():
                    pltpu.make_async_copy(bufs[nq], acc.at[colv.at[m]],
                                          ssems[nq]).wait()

                @pl.when(m + 2 < nch)
                def _():
                    pltpu.async_copy(xf.at[rowv.at[m + 2]], bufs[nq],
                                     gsems[nq])
            return 0
        lax.fori_loop(0, nch // 4, quad, 0)
        pltpu.make_async_copy(bufs[(nch - 2) % 4], acc.at[colv.at[0]],
                              ssems[(nch - 2) % 4]).wait()
        pltpu.make_async_copy(bufs[(nch - 1) % 4], acc.at[colv.at[0]],
                              ssems[(nch - 1) % 4]).wait()
        plsc.subcore_barrier()
        pltpu.sync_copy(acc.at[pl.ds(st * ROWS_PER_TILE, ROWS_PER_TILE)],
                        out_hbm.at[c, f, pl.ds(st * ROWS_PER_TILE,
                                               ROWS_PER_TILE)])
        if f == 0:
            zero_acc()
            plsc.subcore_barrier()



def kernel(h, edge_index, edge_attr, W_lin, bias, W1, b1, W2, b2):
    n, hid = h.shape
    e = edge_index.shape[1]
    half = W1.shape[0]

    be = 5000
    w = pl.pallas_call(
        _edge_mlp_body,
        grid=(e // be,),
        in_specs=[
            pl.BlockSpec((be, edge_attr.shape[1]), lambda i: (i, 0)),
            pl.BlockSpec((half, edge_attr.shape[1]), lambda i: (0, 0)),
            pl.BlockSpec((half,), lambda i: (0,)),
            pl.BlockSpec((1, half), lambda i: (0, 0)),
            pl.BlockSpec(memory_space=pltpu.MemorySpace.SMEM),
        ],
        out_specs=pl.BlockSpec((be, 1), lambda i: (i, 0)),
        out_shape=jax.ShapeDtypeStruct((e, 1), jnp.float32),
    )(edge_attr, W1, b1, W2, b2)[:, 0]

    bn = 2000
    xl = pl.pallas_call(
        _lin_body,
        grid=(n // bn,),
        in_specs=[
            pl.BlockSpec((bn, hid), lambda i: (i, 0)),
            pl.BlockSpec((hid, hid), lambda i: (0, 0)),
        ],
        out_specs=pl.BlockSpec((bn, hid), lambda i: (i, 0)),
        out_shape=jax.ShapeDtypeStruct((n, hid), jnp.float32),
    )(h, W_lin)

    quantum = NW * CH * 8
    e_pad = ((e + quantum - 1) // quantum) * quantum
    pad = e_pad - e
    row2d = jnp.concatenate(
        [edge_index[0], jnp.zeros((pad,), jnp.int32)]).reshape(-1, CH)
    col2d = jnp.concatenate(
        [edge_index[1], jnp.zeros((pad,), jnp.int32)]).reshape(-1, CH)
    w2d = jnp.concatenate([w, jnp.zeros((pad,), jnp.float32)]).reshape(-1, CH)
    nchunk = e_pad // CH

    mesh = plsc.VectorSubcoreMesh(core_axis_name="c", subcore_axis_name="s",
                                  num_cores=NC, num_subcores=NS)

    degs = pl.kernel(
        _deg_body,
        out_type=jax.ShapeDtypeStruct((NW, N_PAD), jnp.float32),
        mesh=mesh,
        compiler_params=pltpu.CompilerParams(needs_layout_passes=False),
        scratch_types=[
            pltpu.VMEM((nchunk // NW, CH), jnp.int32),
            pltpu.VMEM((nchunk // NW, CH), jnp.float32),
            pltpu.VMEM((N_PAD,), jnp.float32),
            pltpu.SemaphoreType.DMA,
        ],
    )(col2d, w2d)

    dinv, xl2 = pl.pallas_call(
        _dinv_body,
        in_specs=[
            pl.BlockSpec((NW, N_PAD), lambda: (0, 0)),
            pl.BlockSpec((n, hid), lambda: (0, 0)),
        ],
        out_specs=[
            pl.BlockSpec((N_PAD, 1), lambda: (0, 0)),
            pl.BlockSpec((n, hid), lambda: (0, 0)),
        ],
        out_shape=[
            jax.ShapeDtypeStruct((N_PAD, 1), jnp.float32),
            jax.ShapeDtypeStruct((n, hid), jnp.float32),
        ],
    )(degs, xl)

    parts = pl.kernel(
        _agg_body,
        out_type=jax.ShapeDtypeStruct((NC, N_PAD, hid), jnp.float32),
        mesh=mesh,
        compiler_params=pltpu.CompilerParams(needs_layout_passes=False),
        scratch_types=[
            pltpu.VMEM((nchunk // NW, CH), jnp.int32),
            pltpu.VMEM((nchunk // NW, CH), jnp.int32),
            pltpu.VMEM((nchunk // NW, CH), jnp.float32),
            pltpu.VMEM((CH, hid), jnp.float32),
            pltpu.VMEM((8, hid), jnp.float32),
            pltpu.VMEM_SHARED((N_PAD, hid), jnp.float32),
            pltpu.SemaphoreType.DMA,
        ],
    )(row2d, col2d, w2d, xl2)

    out = pl.pallas_call(
        _final_body,
        grid=(n // bn,),
        in_specs=[
            pl.BlockSpec((NC, bn, hid), lambda i: (0, i, 0)),
            pl.BlockSpec((bn, 1), lambda i: (i, 0)),
            pl.BlockSpec((bn, hid), lambda i: (i, 0)),
            pl.BlockSpec((hid,), lambda i: (0,)),
        ],
        out_specs=pl.BlockSpec((bn, hid), lambda i: (i, 0)),
        out_shape=jax.ShapeDtypeStruct((n, hid), jnp.float32),
    )(parts, dinv, xl, bias)

    return out

# --- scband reference (transcript-rebuilt; emitter-appended) ---
"""Pipeline reference for scband-edge-weighted-gcnconv-17763984736712 (READ-ONLY COPY).

The authoritative reference and input builder live on the scoring server;
editing this copy changes nothing except your own understanding.
"""

import jax, jax.numpy as jnp
import numpy as np

N = 10000
E = 320000
HID = 128
EDGE_DIM = 4


def setup_inputs(seed: int = 0) -> dict:
    key = jax.random.key(seed)
    ks = jax.random.split(key, 10)
    h = jax.random.normal(ks[0], (N, HID), dtype=jnp.float32)
    edge_index = jax.random.randint(ks[1], (2, E), 0, N, dtype=jnp.int32)
    edge_attr = jax.random.normal(ks[2], (E, EDGE_DIM), dtype=jnp.float32)
    # GCNConv linear (bias=False inside lin; separate bias param), weight [out, in]
    W_lin = jax.random.normal(ks[3], (HID, HID), dtype=jnp.float32) * (1.0 / np.sqrt(HID))
    bias = jnp.zeros((HID,), dtype=jnp.float32)
    # edge MLP: Linear(edge_dim, hid//2) -> SiLU -> Linear(hid//2, 1)
    W1 = jax.random.normal(ks[4], (HID // 2, EDGE_DIM), dtype=jnp.float32) * (1.0 / np.sqrt(EDGE_DIM))
    b1 = jnp.zeros((HID // 2,), dtype=jnp.float32)
    W2 = jax.random.normal(ks[5], (1, HID // 2), dtype=jnp.float32) * (1.0 / np.sqrt(HID // 2))
    b2 = jnp.zeros((1,), dtype=jnp.float32)
    return {"h": h, "edge_index": edge_index, "edge_attr": edge_attr,
            "W_lin": W_lin, "bias": bias, "W1": W1, "b1": b1, "W2": W2, "b2": b2}


def reference(h, edge_index, edge_attr, W_lin, bias, W1, b1, W2, b2):
    n = h.shape[0]
    # --- edge MLP -> sigmoid -> scalar edge weight in (0,1) ---
    z = edge_attr @ W1.T + b1
    z = z * jax.nn.sigmoid(z)  # SiLU
    w = jax.nn.sigmoid((z @ W2.T + b2).squeeze(-1))  # [E]
    # --- GCNConv with add_self_loops=True, normalize=True ---
    row = edge_index[0]
    col = edge_index[1]
    loop = jnp.arange(n, dtype=edge_index.dtype)
    row_f = jnp.concatenate([row, loop])
    col_f = jnp.concatenate([col, loop])
    ew = jnp.concatenate([w, jnp.ones((n,), dtype=w.dtype)])
    # symmetric normalization: deg from dst-side scatter of edge weights
    deg = jnp.zeros((n,), dtype=jnp.float32).at[col_f].add(ew)
    deg_inv_sqrt = jnp.where(deg > 0, deg ** -0.5, 0.0)
    norm = deg_inv_sqrt[row_f] * ew * deg_inv_sqrt[col_f]
    # linear transform then weighted scatter-add aggregation at dst
    xl = h @ W_lin.T
    msg = norm[:, None] * jnp.take(xl, row_f, axis=0)
    out = jnp.zeros((n, xl.shape[1]), dtype=jnp.float32).at[col_f].add(msg)
    return out + bias

if __name__ == "__main__":
    import jax
    _d = setup_inputs()
    print(jax.jit(kernel)(*tuple(_d.values())))

</pallas_src>

<mosaic_0001>
#map = affine_map<(d0, d1) -> (0, 0)>
module attributes {stable_mosaic.version = 14 : i64} {
  func.func @_deg_body(%arg0: i32, %arg1: i32, %arg2: memref<2560x128xi32, #tpu.memory_space<hbm>>, %arg3: memref<2560x128xf32, #tpu.memory_space<hbm>>, %arg4: memref<32x10112xf32, #tpu.memory_space<hbm>>, %arg5: memref<80x128xi32, #tpu.memory_space<vmem>>, %arg6: memref<80x128xf32, #tpu.memory_space<vmem>>, %arg7: memref<10112xf32, #tpu.memory_space<vmem>>, %arg8: memref<!tpu.dma_semaphore, #tpu.memory_space<semaphore_mem>>) attributes {dimension_semantics = [#tpu.dimension_semantics<core_parallel>, #tpu.dimension_semantics<subcore_parallel>], iteration_bounds = array<i64: 2, 16>, scalar_prefetch = 0 : i64, scratch_operands = 4 : i64, tpu.core_type = #tpu.core_type<sc_vector_subcore>, window_params = [{transform_indices = #map}, {transform_indices = #map}, {transform_indices = #map}]} {
    %mul3A = arith.constant 2 : i32
    %mul3A_0 = arith.muli %arg1, %mul3A : i32
    %add3A = arith.addi %mul3A_0, %arg0 : i32
    %scan3A = arith.constant 0 : i32
    %scan3A_1 = arith.constant 0 : i32
    %scan3A_2 = arith.constant 632 : i32
    %scan3A_3 = arith.addi %scan3A_1, %scan3A_2 : i32
    %scan3A_4 = arith.constant 1 : i32
    %scan3A_5 = scf.for %scan3A_16 = %scan3A_1 to %scan3A_3 step %scan3A_4 iter_args(%scan3A_17 = %scan3A) -> (i32)  : i32 {
      %broadcast_in_dim3A = arith.constant 0.000000e+00 : f32
      %broadcast_in_dim3A_18 = vector.broadcast %broadcast_in_dim3A : f32 to vector<16xf32>
      %mul3A_19 = arith.constant 16 : i32
      %mul3A_20 = arith.muli %scan3A_16, %mul3A_19 : i32
      %swap3A = arith.index_cast %mul3A_20 : i32 to index
      %swap3A_21 = tpu.vector_load %arg7[%swap3A] {strides = array<i32>} : memref<10112xf32, #tpu.memory_space<vmem>>, vector<16xf32>,
      tpu.vector_store %arg7[%swap3A], %broadcast_in_dim3A_18 {strides = array<i32>} : memref<10112xf32, #tpu.memory_space<vmem>>, vector<16xf32>,
      %scan3A_22 = arith.constant 0 : i32
      scf.yield %scan3A_22 : i32
    }
    %scan3A_6 = arith.constant 632 : i32
    %mul3A_7 = arith.constant 80 : i32
    %mul3A_8 = arith.muli %add3A, %mul3A_7 : i32
    "tpu.region"() ({
      %run_scoped3A = tpu.sem_alloc : memref<!tpu.dma_semaphore, #tpu.memory_space<semaphore_mem>>
      %dma_start3A = arith.constant 0 : i32
      %dma_start3A_16 = tpu.memref_slice %arg2[%mul3A_8, %dma_start3A] : memref<2560x128xi32, #tpu.memory_space<hbm>> -> memref<80x128xi32, #tpu.memory_space<hbm>>
      %dma_start3A_17 = arith.constant 0 : i32
      %dma_start3A_18 = tpu.memref_slice %arg2[%mul3A_8, %dma_start3A_17] : memref<2560x128xi32, #tpu.memory_space<hbm>> -> memref<80x128xi32, #tpu.memory_space<hbm>>
      tpu.enqueue_dma source(%dma_start3A_18 : memref<80x128xi32, #tpu.memory_space<hbm>>) target(%arg5 : memref<80x128xi32, #tpu.memory_space<vmem>>) target_semaphore(%run_scoped3A : memref<!tpu.dma_semaphore, #tpu.memory_space<semaphore_mem>>)
      %dma_wait3A = arith.constant 0 : i32
      %dma_wait3A_19 = tpu.memref_slice %arg2[%mul3A_8, %dma_wait3A] : memref<2560x128xi32, #tpu.memory_space<hbm>> -> memref<80x128xi32, #tpu.memory_space<hbm>>
      %dma_wait3A_20 = arith.constant 0 : i32
      %dma_wait3A_21 = tpu.memref_slice %arg2[%mul3A_8, %dma_wait3A_20] : memref<2560x128xi32, #tpu.memory_space<hbm>> -> memref<80x128xi32, #tpu.memory_space<hbm>>
      tpu.wait_dma2 semaphore(%run_scoped3A : memref<!tpu.dma_semaphore, #tpu.memory_space<semaphore_mem>>) src(%dma_wait3A_21 : memref<80x128xi32, #tpu.memory_space<hbm>>) dst(%arg5 : memref<80x128xi32, #tpu.memory_space<vmem>>)
      tpu.yield
    }) : () -> ()
    "tpu.region"() ({
      %run_scoped3A = tpu.sem_alloc : memref<!tpu.dma_semaphore, #tpu.memory_space<semaphore_mem>>
      %dma_start3A = arith.constant 0 : i32
      %dma_start3A_16 = tpu.memref_slice %arg3[%mul3A_8, %dma_start3A] : memref<2560x128xf32, #tpu.memory_space<hbm>> -> memref<80x128xf32, #tpu.memory_space<hbm>>
      %dma_start3A_17 = arith.constant 0 : i32
      %dma_start3A_18 = tpu.memref_slice %arg3[%mul3A_8, %dma_start3A_17] : memref<2560x128xf32, #tpu.memory_space<hbm>> -> memref<80x128xf32, #tpu.memory_space<hbm>>
      tpu.enqueue_dma source(%dma_start3A_18 : memref<80x128xf32, #tpu.memory_space<hbm>>) target(%arg6 : memref<80x128xf32, #tpu.memory_space<vmem>>) target_semaphore(%run_scoped3A : memref<!tpu.dma_semaphore, #tpu.memory_space<semaphore_mem>>)
      %dma_wait3A = arith.constant 0 : i32
      %dma_wait3A_19 = tpu.memref_slice %arg3[%mul3A_8, %dma_wait3A] : memref<2560x128xf32, #tpu.memory_space<hbm>> -> memref<80x128xf32, #tpu.memory_space<hbm>>
      %dma_wait3A_20 = arith.constant 0 : i32
      %dma_wait3A_21 = tpu.memref_slice %arg3[%mul3A_8, %dma_wait3A_20] : memref<2560x128xf32, #tpu.memory_space<hbm>> -> memref<80x128xf32, #tpu.memory_space<hbm>>
      tpu.wait_dma2 semaphore(%run_scoped3A : memref<!tpu.dma_semaphore, #tpu.memory_space<semaphore_mem>>) src(%dma_wait3A_21 : memref<80x128xf32, #tpu.memory_space<hbm>>) dst(%arg6 : memref<80x128xf32, #tpu.memory_space<vmem>>)
      tpu.yield
    }) : () -> ()
    %scan3A_9 = arith.constant 0 : i32
    %scan3A_10 = arith.constant 0 : i32
    %scan3A_11 = arith.constant 80 : i32
    %scan3A_12 = arith.addi %scan3A_10, %scan3A_11 : i32
    %scan3A_13 = arith.constant 1 : i32
    %scan3A_14 = scf.for %scan3A_16 = %scan3A_10 to %scan3A_12 step %scan3A_13 iter_args(%scan3A_17 = %scan3A_9) -> (i32)  : i32 {
      %get3A = arith.index_cast %scan3A_16 : i32 to index
      %get3A_18 = arith.constant 0 : index
      %get3A_19 = tpu.vector_load %arg5[%get3A, %get3A_18] {strides = array<i32>} : memref<80x128xi32, #tpu.memory_space<vmem>>, vector<16xi32>,
      %get3A_20 = arith.index_cast %scan3A_16 : i32 to index
      %get3A_21 = arith.constant 0 : index
      %get3A_22 = tpu.vector_load %arg6[%get3A_20, %get3A_21] {strides = array<i32>} : memref<80x128xf32, #tpu.memory_space<vmem>>, vector<16xf32>,
      tpu.vector_store_idx %arg7[%get3A_19], %get3A_22 {add = true} : memref<10112xf32, #tpu.memory_space<vmem>>[vector<16xi32>], vector<16xf32>,
      %get3A_23 = arith.index_cast %scan3A_16 : i32 to index
      %get3A_24 = arith.constant 16 : index
      %get3A_25 = tpu.vector_load %arg5[%get3A_23, %get3A_24] {strides = array<i32>} : memref<80x128xi32, #tpu.memory_space<vmem>>, vector<16xi32>,
      %get3A_26 = arith.index_cast %scan3A_16 : i32 to index
      %get3A_27 = arith.constant 16 : index
      %get3A_28 = tpu.vector_load %arg6[%get3A_26, %get3A_27] {strides = array<i32>} : memref<80x128xf32, #tpu.memory_space<vmem>>, vector<16xf32>,
      tpu.vector_store_idx %arg7[%get3A_25], %get3A_28 {add = true} : memref<10112xf32, #tpu.memory_space<vmem>>[vector<16xi32>], vector<16xf32>,
      %get3A_29 = arith.index_cast %scan3A_16 : i32 to index
      %get3A_30 = arith.constant 32 : index
      %get3A_31 = tpu.vector_load %arg5[%get3A_29, %get3A_30] {strides = array<i32>} : memref<80x128xi32, #tpu.memory_space<vmem>>, vector<16xi32>,
      %get3A_32 = arith.index_cast %scan3A_16 : i32 to index
      %get3A_33 = arith.constant 32 : index
      %get3A_34 = tpu.vector_load %arg6[%get3A_32, %get3A_33] {strides = array<i32>} : memref<80x128xf32, #tpu.memory_space<vmem>>, vector<16xf32>,
      tpu.vector_store_idx %arg7[%get3A_31], %get3A_34 {add = true} : memref<10112xf32, #tpu.memory_space<vmem>>[vector<16xi32>], vector<16xf32>,
      %get3A_35 = arith.index_cast %scan3A_16 : i32 to index
      %get3A_36 = arith.constant 48 : index
      %get3A_37 = tpu.vector_load %arg5[%get3A_35, %get3A_36] {strides = array<i32>} : memref<80x128xi32, #tpu.memory_space<vmem>>, vector<16xi32>,
      %get3A_38 = arith.index_cast %scan3A_16 : i32 to index
      %get3A_39 = arith.constant 48 : index
      %get3A_40 = tpu.vector_load %arg6[%get3A_38, %get3A_39] {strides = array<i32>} : memref<80x128xf32, #tpu.memory_space<vmem>>, vector<16xf32>,
      tpu.vector_store_idx %arg7[%get3A_37], %get3A_40 {add = true} : memref<10112xf32, #tpu.memory_space<vmem>>[vector<16xi32>], vector<16xf32>,
      %get3A_41 = arith.index_cast %scan3A_16 : i32 to index
      %get3A_42 = arith.constant 64 : index
      %get3A_43 = tpu.vector_load %arg5[%get3A_41, %get3A_42] {strides = array<i32>} : memref<80x128xi32, #tpu.memory_space<vmem>>, vector<16xi32>,
      %get3A_44 = arith.index_cast %scan3A_16 : i32 to index
      %get3A_45 = arith.constant 64 : index
      %get3A_46 = tpu.vector_load %arg6[%get3A_44, %get3A_45] {strides = array<i32>} : memref<80x128xf32, #tpu.memory_space<vmem>>, vector<16xf32>,
      tpu.vector_store_idx %arg7[%get3A_43], %get3A_46 {add = true} : memref<10112xf32, #tpu.memory_space<vmem>>[vector<16xi32>], vector<16xf32>,
      %get3A_47 = arith.index_cast %scan3A_16 : i32 to index
      %get3A_48 = arith.constant 80 : index
      %get3A_49 = tpu.vector_load %arg5[%get3A_47, %get3A_48] {strides = array<i32>} : memref<80x128xi32, #tpu.memory_space<vmem>>, vector<16xi32>,
      %get3A_50 = arith.index_cast %scan3A_16 : i32 to index
      %get3A_51 = arith.constant 80 : index
      %get3A_52 = tpu.vector_load %arg6[%get3A_50, %get3A_51] {strides = array<i32>} : memref<80x128xf32, #tpu.memory_space<vmem>>, vector<16xf32>,
      tpu.vector_store_idx %arg7[%get3A_49], %get3A_52 {add = true} : memref<10112xf32, #tpu.memory_space<vmem>>[vector<16xi32>], vector<16xf32>,
      %get3A_53 = arith.index_cast %scan3A_16 : i32 to index
      %get3A_54 = arith.constant 96 : index
      %get3A_55 = tpu.vector_load %arg5[%get3A_53, %get3A_54] {strides = array<i32>} : memref<80x128xi32, #tpu.memory_space<vmem>>, vector<16xi32>,
      %get3A_56 = arith.index_cast %scan3A_16 : i32 to index
      %get3A_57 = arith.constant 96 : index
      %get3A_58 = tpu.vector_load %arg6[%get3A_56, %get3A_57] {strides = array<i32>} : memref<80x128xf32, #tpu.memory_space<vmem>>, vector<16xf32>,
      tpu.vector_store_idx %arg7[%get3A_55], %get3A_58 {add = true} : memref<10112xf32, #tpu.memory_space<vmem>>[vector<16xi32>], vector<16xf32>,
      %get3A_59 = arith.index_cast %scan3A_16 : i32 to index
      %get3A_60 = arith.constant 112 : index
      %get3A_61 = tpu.vector_load %arg5[%get3A_59, %get3A_60] {strides = array<i32>} : memref<80x128xi32, #tpu.memory_space<vmem>>, vector<16xi32>,
      %get3A_62 = arith.index_cast %scan3A_16 : i32 to index
      %get3A_63 = arith.constant 112 : index
      %get3A_64 = tpu.vector_load %arg6[%get3A_62, %get3A_63] {strides = array<i32>} : memref<80x128xf32, #tpu.memory_space<vmem>>, vector<16xf32>,
      tpu.vector_store_idx %arg7[%get3A_61], %get3A_64 {add = true} : memref<10112xf32, #tpu.memory_space<vmem>>[vector<16xi32>], vector<16xf32>,
      %scan3A_65 = arith.constant 0 : i32
      scf.yield %scan3A_65 : i32
    }
    %scan3A_15 = arith.constant 80 : i32
    "tpu.region"() ({
      %run_scoped3A = tpu.sem_alloc : memref<!tpu.dma_semaphore, #tpu.memory_space<semaphore_mem>>
      %dma_start3A = arith.constant 0 : i32
      %dma_start3A_16 = tpu.memref_slice %arg4[%add3A, %dma_start3A] : memref<32x10112xf32, #tpu.memory_space<hbm>> -> memref<1x10112xf32, #tpu.memory_space<hbm>>
      %dma_start3A_17 = tpu.memref_squeeze %dma_start3A_16 : memref<1x10112xf32, #tpu.memory_space<hbm>> -> memref<10112xf32, #tpu.memory_space<hbm>>
      %dma_start3A_18 = arith.constant 0 : i32
      %dma_start3A_19 = tpu.memref_slice %arg4[%add3A, %dma_start3A_18] : memref<32x10112xf32, #tpu.memory_space<hbm>> -> memref<1x10112xf32, #tpu.memory_space<hbm>>
      %dma_start3A_20 = tpu.memref_squeeze %dma_start3A_19 : memref<1x10112xf32, #tpu.memory_space<hbm>> -> memref<10112xf32, #tpu.memory_space<hbm>>
      tpu.enqueue_dma source(%arg7 : memref<10112xf32, #tpu.memory_space<vmem>>) target(%dma_start3A_20 : memref<10112xf32, #tpu.memory_space<hbm>>) target_semaphore(%run_scoped3A : memref<!tpu.dma_semaphore, #tpu.memory_space<semaphore_mem>>)
      %dma_wait3A = arith.constant 0 : i32
      %dma_wait3A_21 = tpu.memref_slice %arg4[%add3A, %dma_wait3A] : memref<32x10112xf32, #tpu.memory_space<hbm>> -> memref<1x10112xf32, #tpu.memory_space<hbm>>
      %dma_wait3A_22 = tpu.memref_squeeze %dma_wait3A_21 : memref<1x10112xf32, #tpu.memory_space<hbm>> -> memref<10112xf32, #tpu.memory_space<hbm>>
      %dma_wait3A_23 = arith.constant 0 : i32
      %dma_wait3A_24 = tpu.memref_slice %arg4[%add3A, %dma_wait3A_23] : memref<32x10112xf32, #tpu.memory_space<hbm>> -> memref<1x10112xf32, #tpu.memory_space<hbm>>
      %dma_wait3A_25 = tpu.memref_squeeze %dma_wait3A_24 : memref<1x10112xf32, #tpu.memory_space<hbm>> -> memref<10112xf32, #tpu.memory_space<hbm>>
      tpu.wait_dma2 semaphore(%run_scoped3A : memref<!tpu.dma_semaphore, #tpu.memory_space<semaphore_mem>>) src(%arg7 : memref<10112xf32, #tpu.memory_space<vmem>>) dst(%dma_wait3A_25 : memref<10112xf32, #tpu.memory_space<hbm>>)
      tpu.yield
    }) : () -> ()
    return
  }
}

#map = affine_map<(d0, d1) -> (0, 0)>
#map1 = affine_map<(d0, d1) -> (0, 0, 0)>
module attributes {stable_mosaic.version = 14 : i64} {
  func.func @_agg_body(%arg0: i32, %arg1: i32, %arg2: memref<2560x128xi32, #tpu.memory_space<hbm>>, %arg3: memref<2560x128xi32, #tpu.memory_space<hbm>>, %arg4: memref<2560x128xf32, #tpu.memory_space<hbm>>, %arg5: memref<10000x128xf32, #tpu.memory_space<hbm>>, %arg6: memref<2x10112x128xf32, #tpu.memory_space<hbm>>, %arg7: memref<80x128xi32, #tpu.memory_space<vmem>>, %arg8: memref<80x128xi32, #tpu.memory_space<vmem>>, %arg9: memref<80x128xf32, #tpu.memory_space<vmem>>, %arg10: memref<128x128xf32, #tpu.memory_space<vmem>>, %arg11: memref<8x128xf32, #tpu.memory_space<vmem>>, %arg12: memref<10112x128xf32, #tpu.memory_space<vmem_shared>>, %arg13: memref<!tpu.dma_semaphore, #tpu.memory_space<semaphore_mem>>) attributes {dimension_semantics = [#tpu.dimension_semantics<core_parallel>, #tpu.dimension_semantics<subcore_parallel>], iteration_bounds = array<i64: 2, 16>, scalar_prefetch = 0 : i64, scratch_operands = 7 : i64, tpu.core_type = #tpu.core_type<sc_vector_subcore>, window_params = [{transform_indices = #map}, {transform_indices = #map}, {transform_indices = #map}, {transform_indices = #map}, {transform_indices = #map1}]} {
    %mul3A = arith.constant 2 : i32
    %mul3A_0 = arith.muli %arg1, %mul3A : i32
    %add3A = arith.addi %mul3A_0, %arg0 : i32
    %scan3A = arith.constant 0 : i32
    %scan3A_1 = arith.constant 0 : i32
    %scan3A_2 = arith.constant 8 : i32
    %scan3A_3 = arith.addi %scan3A_1, %scan3A_2 : i32
    %scan3A_4 = arith.constant 1 : i32
    %scan3A_5 = scf.for %scan3A_28 = %scan3A_1 to %scan3A_3 step %scan3A_4 iter_args(%scan3A_29 = %scan3A) -> (i32)  : i32 {
      %broadcast_in_dim3A = arith.constant 0.000000e+00 : f32
      %broadcast_in_dim3A_30 = vector.broadcast %broadcast_in_dim3A : f32 to vector<16xf32>
      %swap3A = arith.index_cast %scan3A_28 : i32 to index
      %swap3A_31 = arith.constant 0 : index
      %swap3A_32 = tpu.vector_load %arg11[%swap3A, %swap3A_31] {strides = array<i32>} : memref<8x128xf32, #tpu.memory_space<vmem>>, vector<16xf32>,
      tpu.vector_store %arg11[%swap3A, %swap3A_31], %broadcast_in_dim3A_30 {strides = array<i32>} : memref<8x128xf32, #tpu.memory_space<vmem>>, vector<16xf32>,
      %broadcast_in_dim3A_33 = arith.constant 0.000000e+00 : f32
      %broadcast_in_dim3A_34 = vector.broadcast %broadcast_in_dim3A_33 : f32 to vector<16xf32>
      %swap3A_35 = arith.index_cast %scan3A_28 : i32 to index
      %swap3A_36 = arith.constant 16 : index
      %swap3A_37 = tpu.vector_load %arg11[%swap3A_35, %swap3A_36] {strides = array<i32>} : memref<8x128xf32, #tpu.memory_space<vmem>>, vector<16xf32>,
      tpu.vector_store %arg11[%swap3A_35, %swap3A_36], %broadcast_in_dim3A_34 {strides = array<i32>} : memref<8x128xf32, #tpu.memory_space<vmem>>, vector<16xf32>,
      %broadcast_in_dim3A_38 = arith.constant 0.000000e+00 : f32
      %broadcast_in_dim3A_39 = vector.broadcast %broadcast_in_dim3A_38 : f32 to vector<16xf32>
      %swap3A_40 = arith.index_cast %scan3A_28 : i32 to index
      %swap3A_41 = arith.constant 32 : index
      %swap3A_42 = tpu.vector_load %arg11[%swap3A_40, %swap3A_41] {strides = array<i32>} : memref<8x128xf32, #tpu.memory_space<vmem>>, vector<16xf32>,
      tpu.vector_store %arg11[%swap3A_40, %swap3A_41], %broadcast_in_dim3A_39 {strides = array<i32>} : memref<8x128xf32, #tpu.memory_space<vmem>>, vector<16xf32>,
      %broadcast_in_dim3A_43 = arith.constant 0.000000e+00 : f32
      %broadcast_in_dim3A_44 = vector.broadcast %broadcast_in_dim3A_43 : f32 to vector<16xf32>
      %swap3A_45 = arith.index_cast %scan3A_28 : i32 to index
      %swap3A_46 = arith.constant 48 : index
      %swap3A_47 = tpu.vector_load %arg11[%swap3A_45, %swap3A_46] {strides = array<i32>} : memref<8x128xf32, #tpu.memory_space<vmem>>, vector<16xf32>,
      tpu.vector_store %arg11[%swap3A_45, %swap3A_46], %broadcast_in_dim3A_44 {strides = array<i32>} : memref<8x128xf32, #tpu.memory_space<vmem>>, vector<16xf32>,
      %broadcast_in_dim3A_48 = arith.constant 0.000000e+00 : f32
      %broadcast_in_dim3A_49 = vector.broadcast %broadcast_in_dim3A_48 : f32 to vector<16xf32>
      %swap3A_50 = arith.index_cast %scan3A_28 : i32 to index
      %swap3A_51 = arith.constant 64 : index
      %swap3A_52 = tpu.vector_load %arg11[%swap3A_50, %swap3A_51] {strides = array<i32>} : memref<8x128xf32, #tpu.memory_space<vmem>>, vector<16xf32>,
      tpu.vector_store %arg11[%swap3A_50, %swap3A_51], %broadcast_in_dim3A_49 {strides = array<i32>} : memref<8x128xf32, #tpu.memory_space<vmem>>, vector<16xf32>,
      %broadcast_in_dim3A_53 = arith.constant 0.000000e+00 : f32
      %broadcast_in_dim3A_54 = vector.broadcast %broadcast_in_dim3A_53 : f32 to vector<16xf32>
      %swap3A_55 = arith.index_cast %scan3A_28 : i32 to index
      %swap3A_56 = arith.constant 80 : index
      %swap3A_57 = tpu.vector_load %arg11[%swap3A_55, %swap3A_56] {strides = array<i32>} : memref<8x128xf32, #tpu.memory_space<vmem>>, vector<16xf32>,
      tpu.vector_store %arg11[%swap3A_55, %swap3A_56], %broadcast_in_dim3A_54 {strides = array<i32>} : memref<8x128xf32, #tpu.memory_space<vmem>>, vector<16xf32>,
      %broadcast_in_dim3A_58 = arith.constant 0.000000e+00 : f32
      %broadcast_in_dim3A_59 = vector.broadcast %broadcast_in_dim3A_58 : f32 to vector<16xf32>
      %swap3A_60 = arith.index_cast %scan3A_28 : i32 to index
      %swap3A_61 = arith.constant 96 : index
      %swap3A_62 = tpu.vector_load %arg11[%swap3A_60, %swap3A_61] {strides = array<i32>} : memref<8x128xf32, #tpu.memory_space<vmem>>, vector<16xf32>,
      tpu.vector_store %arg11[%swap3A_60, %swap3A_61], %broadcast_in_dim3A_59 {strides = array<i32>} : memref<8x128xf32, #tpu.memory_space<vmem>>, vector<16xf32>,
      %broadcast_in_dim3A_63 = arith.constant 0.000000e+00 : f32
      %broadcast_in_dim3A_64 = vector.broadcast %broadcast_in_dim3A_63 : f32 to vector<16xf32>
      %swap3A_65 = arith.index_cast %scan3A_28 : i32 to index
      %swap3A_66 = arith.constant 112 : index
      %swap3A_67 = tpu.vector_load %arg11[%swap3A_65, %swap3A_66] {strides = array<i32>} : memref<8x128xf32, #tpu.memory_space<vmem>>, vector<16xf32>,
      tpu.vector_store %arg11[%swap3A_65, %swap3A_66], %broadcast_in_dim3A_64 {strides = array<i32>} : memref<8x128xf32, #tpu.memory_space<vmem>>, vector<16xf32>,
      %scan3A_68 = arith.constant 0 : i32
      scf.yield %scan3A_68 : i32
    }
    %scan3A_6 = arith.constant 8 : i32
    %scan3A_7 = arith.constant 0 : i32
    %scan3A_8 = arith.constant 0 : i32
    %scan3A_9 = arith.constant 79 : i32
    %scan3A_10 = arith.addi %scan3A_8, %scan3A_9 : i32
    %scan3A_11 = arith.constant 1 : i32
    %scan3A_12 = scf.for %scan3A_28 = %scan3A_8 to %scan3A_10 step %scan3A_11 iter_args(%scan3A_29 = %scan3A_7) -> (i32)  : i32 {
      %mul3A_30 = arith.constant 632 : i32
      %mul3A_31 = arith.muli %arg1, %mul3A_30 : i32
      %mul3A_32 = arith.constant 8 : i32
      %mul3A_33 = arith.muli %scan3A_28, %mul3A_32 : i32
      %add3A_34 = arith.addi %mul3A_31, %mul3A_33 : i32
      "tpu.region"() ({
        %run_scoped3A = tpu.sem_alloc : memref<!tpu.dma_semaphore, #tpu.memory_space<semaphore_mem>>
        %dma_start3A = arith.constant 0 : i32
        %dma_start3A_36 = tpu.memref_slice %arg12[%add3A_34, %dma_start3A] : memref<10112x128xf32, #tpu.memory_space<vmem_shared>> -> memref<8x128xf32, #tpu.memory_space<vmem_shared>>
        %dma_start3A_37 = arith.constant 0 : i32
        %dma_start3A_38 = tpu.memref_slice %arg12[%add3A_34, %dma_start3A_37] : memref<10112x128xf32, #tpu.memory_space<vmem_shared>> -> memref<8x128xf32, #tpu.memory_space<vmem_shared>>
        tpu.enqueue_dma source(%arg11 : memref<8x128xf32, #tpu.memory_space<vmem>>) target(%dma_start3A_38 : memref<8x128xf32, #tpu.memory_space<vmem_shared>>) target_semaphore(%run_scoped3A : memref<!tpu.dma_semaphore, #tpu.memory_space<semaphore_mem>>)
        %dma_wait3A = arith.constant 0 : i32
        %dma_wait3A_39 = tpu.memref_slice %arg12[%add3A_34, %dma_wait3A] : memref<10112x128xf32, #tpu.memory_space<vmem_shared>> -> memref<8x128xf32, #tpu.memory_space<vmem_shared>>
        %dma_wait3A_40 = arith.constant 0 : i32
        %dma_wait3A_41 = tpu.memref_slice %arg12[%add3A_34, %dma_wait3A_40] : memref<10112x128xf32, #tpu.memory_space<vmem_shared>> -> memref<8x128xf32, #tpu.memory_space<vmem_shared>>
        tpu.wait_dma2 semaphore(%run_scoped3A : memref<!tpu.dma_semaphore, #tpu.memory_space<semaphore_mem>>) src(%arg11 : memref<8x128xf32, #tpu.memory_space<vmem>>) dst(%dma_wait3A_41 : memref<8x128xf32, #tpu.memory_space<vmem_shared>>)
        tpu.yield
      }) : () -> ()
      %scan3A_35 = arith.constant 0 : i32
      scf.yield %scan3A_35 : i32
    }
    %scan3A_13 = arith.constant 79 : i32
    %barrier3A = arith.constant 0 : index
    tpu.barrier barrier_id(%barrier3A)
    %mul3A_14 = arith.constant 80 : i32
    %mul3A_15 = arith.muli %add3A, %mul3A_14 : i32
    "tpu.region"() ({
      %run_scoped3A = tpu.sem_alloc : memref<!tpu.dma_semaphore, #tpu.memory_space<semaphore_mem>>
      %dma_start3A = arith.constant 0 : i32
      %dma_start3A_28 = tpu.memref_slice %arg2[%mul3A_15, %dma_start3A] : memref<2560x128xi32, #tpu.memory_space<hbm>> -> memref<80x128xi32, #tpu.memory_space<hbm>>
      %dma_start3A_29 = arith.constant 0 : i32
      %dma_start3A_30 = tpu.memref_slice %arg2[%mul3A_15, %dma_start3A_29] : memref<2560x128xi32, #tpu.memory_space<hbm>> -> memref<80x128xi32, #tpu.memory_space<hbm>>
      tpu.enqueue_dma source(%dma_start3A_30 : memref<80x128xi32, #tpu.memory_space<hbm>>) target(%arg7 : memref<80x128xi32, #tpu.memory_space<vmem>>) target_semaphore(%run_scoped3A : memref<!tpu.dma_semaphore, #tpu.memory_space<semaphore_mem>>)
      %dma_wait3A = arith.constant 0 : i32
      %dma_wait3A_31 = tpu.memref_slice %arg2[%mul3A_15, %dma_wait3A] : memref<2560x128xi32, #tpu.memory_space<hbm>> -> memref<80x128xi32, #tpu.memory_space<hbm>>
      %dma_wait3A_32 = arith.constant 0 : i32
      %dma_wait3A_33 = tpu.memref_slice %arg2[%mul3A_15, %dma_wait3A_32] : memref<2560x128xi32, #tpu.memory_space<hbm>> -> memref<80x128xi32, #tpu.memory_space<hbm>>
      tpu.wait_dma2 semaphore(%run_scoped3A : memref<!tpu.dma_semaphore, #tpu.memory_space<semaphore_mem>>) src(%dma_wait3A_33 : memref<80x128xi32, #tpu.memory_space<hbm>>) dst(%arg7 : memref<80x128xi32, #tpu.memory_space<vmem>>)
      tpu.yield
    }) : () -> ()
    "tpu.region"() ({
      %run_scoped3A = tpu.sem_alloc : memref<!tpu.dma_semaphore, #tpu.memory_space<semaphore_mem>>
      %dma_start3A = arith.constant 0 : i32
      %dma_start3A_28 = tpu.memref_slice %arg3[%mul3A_15, %dma_start3A] : memref<2560x128xi32, #tpu.memory_space<hbm>> -> memref<80x128xi32, #tpu.memory_space<hbm>>
      %dma_start3A_29 = arith.constant 0 : i32
      %dma_start3A_30 = tpu.memref_slice %arg3[%mul3A_15, %dma_start3A_29] : memref<2560x128xi32, #tpu.memory_space<hbm>> -> memref<80x128xi32, #tpu.memory_space<hbm>>
      tpu.enqueue_dma source(%dma_start3A_30 : memref<80x128xi32, #tpu.memory_space<hbm>>) target(%arg8 : memref<80x128xi32, #tpu.memory_space<vmem>>) target_semaphore(%run_scoped3A : memref<!tpu.dma_semaphore, #tpu.memory_space<semaphore_mem>>)
      %dma_wait3A = arith.constant 0 : i32
      %dma_wait3A_31 = tpu.memref_slice %arg3[%mul3A_15, %dma_wait3A] : memref<2560x128xi32, #tpu.memory_space<hbm>> -> memref<80x128xi32, #tpu.memory_space<hbm>>
      %dma_wait3A_32 = arith.constant 0 : i32
      %dma_wait3A_33 = tpu.memref_slice %arg3[%mul3A_15, %dma_wait3A_32] : memref<2560x128xi32, #tpu.memory_space<hbm>> -> memref<80x128xi32, #tpu.memory_space<hbm>>
      tpu.wait_dma2 semaphore(%run_scoped3A : memref<!tpu.dma_semaphore, #tpu.memory_space<semaphore_mem>>) src(%dma_wait3A_33 : memref<80x128xi32, #tpu.memory_space<hbm>>) dst(%arg8 : memref<80x128xi32, #tpu.memory_space<vmem>>)
      tpu.yield
    }) : () -> ()
    "tpu.region"() ({
      %run_scoped3A = tpu.sem_alloc : memref<!tpu.dma_semaphore, #tpu.memory_space<semaphore_mem>>
      %dma_start3A = arith.constant 0 : i32
      %dma_start3A_28 = tpu.memref_slice %arg4[%mul3A_15, %dma_start3A] : memref<2560x128xf32, #tpu.memory_space<hbm>> -> memref<80x128xf32, #tpu.memory_space<hbm>>
      %dma_start3A_29 = arith.constant 0 : i32
      %dma_start3A_30 = tpu.memref_slice %arg4[%mul3A_15, %dma_start3A_29] : memref<2560x128xf32, #tpu.memory_space<hbm>> -> memref<80x128xf32, #tpu.memory_space<hbm>>
      tpu.enqueue_dma source(%dma_start3A_30 : memref<80x128xf32, #tpu.memory_space<hbm>>) target(%arg9 : memref<80x128xf32, #tpu.memory_space<vmem>>) target_semaphore(%run_scoped3A : memref<!tpu.dma_semaphore, #tpu.memory_space<semaphore_mem>>)
      %dma_wait3A = arith.constant 0 : i32
      %dma_wait3A_31 = tpu.memref_slice %arg4[%mul3A_15, %dma_wait3A] : memref<2560x128xf32, #tpu.memory_space<hbm>> -> memref<80x128xf32, #tpu.memory_space<hbm>>
      %dma_wait3A_32 = arith.constant 0 : i32
      %dma_wait3A_33 = tpu.memref_slice %arg4[%mul3A_15, %dma_wait3A_32] : memref<2560x128xf32, #tpu.memory_space<hbm>> -> memref<80x128xf32, #tpu.memory_space<hbm>>
      tpu.wait_dma2 semaphore(%run_scoped3A : memref<!tpu.dma_semaphore, #tpu.memory_space<semaphore_mem>>) src(%dma_wait3A_33 : memref<80x128xf32, #tpu.memory_space<hbm>>) dst(%arg9 : memref<80x128xf32, #tpu.memory_space<vmem>>)
      tpu.yield
    }) : () -> ()
    %scan3A_16 = arith.constant 0 : i32
    %scan3A_17 = arith.constant 0 : i32
    %scan3A_18 = arith.constant 80 : i32
    %scan3A_19 = arith.addi %scan3A_17, %scan3A_18 : i32
    %scan3A_20 = arith.constant 1 : i32
    %scan3A_21 = scf.for %scan3A_28 = %scan3A_17 to %scan3A_19 step %scan3A_20 iter_args(%scan3A_29 = %scan3A_16) -> (i32)  : i32 {
      %dma_start3A = arith.constant 0 : i32
      %dma_start3A_30 = tpu.memref_slice %arg7[%scan3A_28, %dma_start3A] : memref<80x128xi32, #tpu.memory_space<vmem>> -> memref<1x128xi32, #tpu.memory_space<vmem>>
      %dma_start3A_31 = tpu.memref_squeeze %dma_start3A_30 : memref<1x128xi32, #tpu.memory_space<vmem>> -> memref<128xi32, #tpu.memory_space<vmem>>
      %dma_start3A_32 = arith.constant 0 : i32
      %dma_start3A_33 = arith.constant 0 : i32
      %dma_start3A_34 = tpu.memref_slice %arg5[%dma_start3A_32, %dma_start3A_33] : memref<10000x128xf32, #tpu.memory_space<hbm>> -> memref<10000x128xf32, #tpu.memory_space<hbm>>
      tpu.enqueue_indirect_dma source(%dma_start3A_34 : memref<10000x128xf32, #tpu.memory_space<hbm>>) target(%arg10 : memref<128x128xf32, #tpu.memory_space<vmem>>) offsets(%dma_start3A_31 : memref<128xi32, #tpu.memory_space<vmem>>) semaphore(%arg13 : memref<!tpu.dma_semaphore, #tpu.memory_space<semaphore_mem>>)
      %dma_wait3A = arith.constant 0 : i32
      %dma_wait3A_35 = tpu.memref_slice %arg7[%scan3A_28, %dma_wait3A] : memref<80x128xi32, #tpu.memory_space<vmem>> -> memref<1x128xi32, #tpu.memory_space<vmem>>
      %dma_wait3A_36 = tpu.memref_squeeze %dma_wait3A_35 : memref<1x128xi32, #tpu.memory_space<vmem>> -> memref<128xi32, #tpu.memory_space<vmem>>
      %dma_wait3A_37 = arith.constant 0 : i32
      %dma_wait3A_38 = arith.constant 0 : i32
      %dma_wait3A_39 = tpu.memref_slice %arg5[%dma_wait3A_37, %dma_wait3A_38] : memref<10000x128xf32, #tpu.memory_space<hbm>> -> memref<10000x128xf32, #tpu.memory_space<hbm>>
      tpu.wait_indirect_dma semaphore(%arg13 : memref<!tpu.dma_semaphore, #tpu.memory_space<semaphore_mem>>) src(%dma_wait3A_39 : memref<10000x128xf32, #tpu.memory_space<hbm>>) dst(%arg10 : memref<128x128xf32, #tpu.memory_space<vmem>>)
      %scan3A_40 = arith.constant 0 : i32
      %scan3A_41 = arith.constant 0 : i32
      %scan3A_42 = arith.constant 128 : i32
      %scan3A_43 = arith.addi %scan3A_41, %scan3A_42 : i32
      %scan3A_44 = arith.constant 1 : i32
      %scan3A_45 = scf.for %scan3A_48 = %scan3A_41 to %scan3A_43 step %scan3A_44 iter_args(%scan3A_49 = %scan3A_40) -> (i32)  : i32 {
        %broadcast_in_dim3A = arith.constant 0 : i32
        %broadcast_in_dim3A_50 = vector.broadcast %broadcast_in_dim3A : i32 to vector<16xi32>
        %add3A_51 = vector.broadcast %scan3A_28 : i32 to vector<16xi32>
        %add3A_52 = arith.addi %broadcast_in_dim3A_50, %add3A_51 : vector<16xi32>
        %broadcast_in_dim3A_53 = arith.constant 0 : i32
        %broadcast_in_dim3A_54 = vector.broadcast %broadcast_in_dim3A_53 : i32 to vector<16xi32>
        %add3A_55 = vector.broadcast %scan3A_48 : i32 to vector<16xi32>
        %add3A_56 = arith.addi %broadcast_in_dim3A_54, %add3A_55 : vector<16xi32>
        %gather3A = tpu.vector_load_idx %arg9[%add3A_52, %add3A_56] : memref<80x128xf32, #tpu.memory_space<vmem>>[vector<16xi32>, vector<16xi32>], vector<16xf32>,
        %get3A = arith.index_cast %scan3A_48 : i32 to index
        %get3A_57 = arith.constant 0 : index
        %get3A_58 = tpu.vector_load %arg10[%get3A, %get3A_57] {strides = array<i32>} : memref<128x128xf32, #tpu.memory_space<vmem>>, vector<16xf32>,
        %mul3A_59 = arith.mulf %get3A_58, %gather3A : vector<16xf32>
        %swap3A = arith.index_cast %scan3A_48 : i32 to index
        %swap3A_60 = arith.constant 0 : index
        %swap3A_61 = tpu.vector_load %arg10[%swap3A, %swap3A_60] {strides = array<i32>} : memref<128x128xf32, #tpu.memory_space<vmem>>, vector<16xf32>,
        tpu.vector_store %arg10[%swap3A, %swap3A_60], %mul3A_59 {strides = array<i32>} : memref<128x128xf32, #tpu.memory_space<vmem>>, vector<16xf32>,
        %get3A_62 = arith.index_cast %scan3A_48 : i32 to index
        %get3A_63 = arith.constant 16 : index
        %get3A_64 = tpu.vector_load %arg10[%get3A_62, %get3A_63] {strides = array<i32>} : memref<128x128xf32, #tpu.memory_space<vmem>>, vector<16xf32>,
        %mul3A_65 = arith.mulf %get3A_64, %gather3A : vector<16xf32>
        %swap3A_66 = arith.index_cast %scan3A_48 : i32 to index
        %swap3A_67 = arith.constant 16 : index
        %swap3A_68 = tpu.vector_load %arg10[%swap3A_66, %swap3A_67] {strides = array<i32>} : memref<128x128xf32, #tpu.memory_space<vmem>>, vector<16xf32>,
        tpu.vector_store %arg10[%swap3A_66, %swap3A_67], %mul3A_65 {strides = array<i32>} : memref<128x128xf32, #tpu.memory_space<vmem>>, vector<16xf32>,
        %get3A_69 = arith.index_cast %scan3A_48 : i32 to index
        %get3A_70 = arith.constant 32 : index
        %get3A_71 = tpu.vector_load %arg10[%get3A_69, %get3A_70] {strides = array<i32>} : memref<128x128xf32, #tpu.memory_space<vmem>>, vector<16xf32>,
        %mul3A_72 = arith.mulf %get3A_71, %gather3A : vector<16xf32>
        %swap3A_73 = arith.index_cast %scan3A_48 : i32 to index
        %swap3A_74 = arith.constant 32 : index
        %swap3A_75 = tpu.vector_load %arg10[%swap3A_73, %swap3A_74] {strides = array<i32>} : memref<128x128xf32, #tpu.memory_space<vmem>>, vector<16xf32>,
        tpu.vector_store %arg10[%swap3A_73, %swap3A_74], %mul3A_72 {strides = array<i32>} : memref<128x128xf32, #tpu.memory_space<vmem>>, vector<16xf32>,
        %get3A_76 = arith.index_cast %scan3A_48 : i32 to index
        %get3A_77 = arith.constant 48 : index
        %get3A_78 = tpu.vector_load %arg10[%get3A_76, %get3A_77] {strides = array<i32>} : memref<128x128xf32, #tpu.memory_space<vmem>>, vector<16xf32>,
        %mul3A_79 = arith.mulf %get3A_78, %gather3A : vector<16xf32>
        %swap3A_80 = arith.index_cast %scan3A_48 : i32 to index
        %swap3A_81 = arith.constant 48 : index
        %swap3A_82 = tpu.vector_load %arg10[%swap3A_80, %swap3A_81] {strides = array<i32>} : memref<128x128xf32, #tpu.memory_space<vmem>>, vector<16xf32>,
        tpu.vector_store %arg10[%swap3A_80, %swap3A_81], %mul3A_79 {strides = array<i32>} : memref<128x128xf32, #tpu.memory_space<vmem>>, vector<16xf32>,
        %get3A_83 = arith.index_cast %scan3A_48 : i32 to index
        %get3A_84 = arith.constant 64 : index
        %get3A_85 = tpu.vector_load %arg10[%get3A_83, %get3A_84] {strides = array<i32>} : memref<128x128xf32, #tpu.memory_space<vmem>>, vector<16xf32>,
        %mul3A_86 = arith.mulf %get3A_85, %gather3A : vector<16xf32>
        %swap3A_87 = arith.index_cast %scan3A_48 : i32 to index
        %swap3A_88 = arith.constant 64 : index
        %swap3A_89 = tpu.vector_load %arg10[%swap3A_87, %swap3A_88] {strides = array<i32>} : memref<128x128xf32, #tpu.memory_space<vmem>>, vector<16xf32>,
        tpu.vector_store %arg10[%swap3A_87, %swap3A_88], %mul3A_86 {strides = array<i32>} : memref<128x128xf32, #tpu.memory_space<vmem>>, vector<16xf32>,
        %get3A_90 = arith.index_cast %scan3A_48 : i32 to index
        %get3A_91 = arith.constant 80 : index
        %get3A_92 = tpu.vector_load %arg10[%get3A_90, %get3A_91] {strides = array<i32>} : memref<128x128xf32, #tpu.memory_space<vmem>>, vector<16xf32>,
        %mul3A_93 = arith.mulf %get3A_92, %gather3A : vector<16xf32>
        %swap3A_94 = arith.index_cast %scan3A_48 : i32 to index
        %swap3A_95 = arith.constant 80 : index
        %swap3A_96 = tpu.vector_load %arg10[%swap3A_94, %swap3A_95] {strides = array<i32>} : memref<128x128xf32, #tpu.memory_space<vmem>>, vector<16xf32>,
        tpu.vector_store %arg10[%swap3A_94, %swap3A_95], %mul3A_93 {strides = array<i32>} : memref<128x128xf32, #tpu.memory_space<vmem>>, vector<16xf32>,
        %get3A_97 = arith.index_cast %scan3A_48 : i32 to index
        %get3A_98 = arith.constant 96 : index
        %get3A_99 = tpu.vector_load %arg10[%get3A_97, %get3A_98] {strides = array<i32>} : memref<128x128xf32, #tpu.memory_space<vmem>>, vector<16xf32>,
        %mul3A_100 = arith.mulf %get3A_99, %gather3A : vector<16xf32>
        %swap3A_101 = arith.index_cast %scan3A_48 : i32 to index
        %swap3A_102 = arith.constant 96 : index
        %swap3A_103 = tpu.vector_load %arg10[%swap3A_101, %swap3A_102] {strides = array<i32>} : memref<128x128xf32, #tpu.memory_space<vmem>>, vector<16xf32>,
        tpu.vector_store %arg10[%swap3A_101, %swap3A_102], %mul3A_100 {strides = array<i32>} : memref<128x128xf32, #tpu.memory_space<vmem>>, vector<16xf32>,
        %get3A_104 = arith.index_cast %scan3A_48 : i32 to index
        %get3A_105 = arith.constant 112 : index
        %get3A_106 = tpu.vector_load %arg10[%get3A_104, %get3A_105] {strides = array<i32>} : memref<128x128xf32, #tpu.memory_space<vmem>>, vector<16xf32>,
        %mul3A_107 = arith.mulf %get3A_106, %gather3A : vector<16xf32>
        %swap3A_108 = arith.index_cast %scan3A_48 : i32 to index
        %swap3A_109 = arith.constant 112 : index
        %swap3A_110 = tpu.vector_load %arg10[%swap3A_108, %swap3A_109] {strides = array<i32>} : memref<128x128xf32, #tpu.memory_space<vmem>>, vector<16xf32>,
        tpu.vector_store %arg10[%swap3A_108, %swap3A_109], %mul3A_107 {strides = array<i32>} : memref<128x128xf32, #tpu.memory_space<vmem>>, vector<16xf32>,
        %scan3A_111 = arith.constant 0 : i32
        scf.yield %scan3A_111 : i32
      }
      %scan3A_46 = arith.constant 128 : i32
      "tpu.region"() ({
        %run_scoped3A = tpu.sem_alloc : memref<!tpu.dma_semaphore, #tpu.memory_space<semaphore_mem>>
        %dma_start3A_48 = arith.constant 0 : i32
        %dma_start3A_49 = tpu.memref_slice %arg8[%scan3A_28, %dma_start3A_48] : memref<80x128xi32, #tpu.memory_space<vmem>> -> memref<1x128xi32, #tpu.memory_space<vmem>>
        %dma_start3A_50 = tpu.memref_squeeze %dma_start3A_49 : memref<1x128xi32, #tpu.memory_space<vmem>> -> memref<128xi32, #tpu.memory_space<vmem>>
        %dma_start3A_51 = arith.constant 0 : i32
        %dma_start3A_52 = arith.constant 0 : i32
        %dma_start3A_53 = tpu.memref_slice %arg12[%dma_start3A_51, %dma_start3A_52] : memref<10112x128xf32, #tpu.memory_space<vmem_shared>> -> memref<10112x128xf32, #tpu.memory_space<vmem_shared>>
        tpu.enqueue_indirect_dma source(%arg10 : memref<128x128xf32, #tpu.memory_space<vmem>>) target(%dma_start3A_53 : memref<10112x128xf32, #tpu.memory_space<vmem_shared>>) offsets(%dma_start3A_50 : memref<128xi32, #tpu.memory_space<vmem>>) semaphore(%run_scoped3A : memref<!tpu.dma_semaphore, #tpu.memory_space<semaphore_mem>>) {add = true}
        %dma_wait3A_54 = arith.constant 0 : i32
        %dma_wait3A_55 = tpu.memref_slice %arg8[%scan3A_28, %dma_wait3A_54] : memref<80x128xi32, #tpu.memory_space<vmem>> -> memref<1x128xi32, #tpu.memory_space<vmem>>
        %dma_wait3A_56 = tpu.memref_squeeze %dma_wait3A_55 : memref<1x128xi32, #tpu.memory_space<vmem>> -> memref<128xi32, #tpu.memory_space<vmem>>
        %dma_wait3A_57 = arith.constant 0 : i32
        %dma_wait3A_58 = arith.constant 0 : i32
        %dma_wait3A_59 = tpu.memref_slice %arg12[%dma_wait3A_57, %dma_wait3A_58] : memref<10112x128xf32, #tpu.memory_space<vmem_shared>> -> memref<10112x128xf32, #tpu.memory_space<vmem_shared>>
        tpu.wait_indirect_dma semaphore(%run_scoped3A : memref<!tpu.dma_semaphore, #tpu.memory_space<semaphore_mem>>) src(%arg10 : memref<128x128xf32, #tpu.memory_space<vmem>>) dst(%dma_wait3A_59 : memref<10112x128xf32, #tpu.memory_space<vmem_shared>>)
        tpu.yield
      }) : () -> ()
      %scan3A_47 = arith.constant 0 : i32
      scf.yield %scan3A_47 : i32
    }
    %scan3A_22 = arith.constant 80 : i32
    %barrier3A_23 = arith.constant 0 : index
    tpu.barrier barrier_id(%barrier3A_23)
    %mul3A_24 = arith.constant 632 : i32
    %mul3A_25 = arith.muli %arg1, %mul3A_24 : i32
    %mul3A_26 = arith.constant 632 : i32
    %mul3A_27 = arith.muli %arg1, %mul3A_26 : i32
    "tpu.region"() ({
      %run_scoped3A = tpu.sem_alloc : memref<!tpu.dma_semaphore, #tpu.memory_space<semaphore_mem>>
      %dma_start3A = arith.constant 0 : i32
      %dma_start3A_28 = tpu.memref_slice %arg6[%arg0, %mul3A_27, %dma_start3A] : memref<2x10112x128xf32, #tpu.memory_space<hbm>> -> memref<1x632x128xf32, #tpu.memory_space<hbm>>
      %dma_start3A_29 = tpu.memref_squeeze %dma_start3A_28 : memref<1x632x128xf32, #tpu.memory_space<hbm>> -> memref<632x128xf32, #tpu.memory_space<hbm>>
      %dma_start3A_30 = arith.constant 0 : i32
      %dma_start3A_31 = tpu.memref_slice %arg12[%mul3A_25, %dma_start3A_30] : memref<10112x128xf32, #tpu.memory_space<vmem_shared>> -> memref<632x128xf32, #tpu.memory_space<vmem_shared>>
      tpu.enqueue_dma source(%dma_start3A_31 : memref<632x128xf32, #tpu.memory_space<vmem_shared>>) target(%dma_start3A_29 : memref<632x128xf32, #tpu.memory_space<hbm>>) target_semaphore(%run_scoped3A : memref<!tpu.dma_semaphore, #tpu.memory_space<semaphore_mem>>)
      %dma_wait3A = arith.constant 0 : i32
      %dma_wait3A_32 = tpu.memref_slice %arg6[%arg0, %mul3A_27, %dma_wait3A] : memref<2x10112x128xf32, #tpu.memory_space<hbm>> -> memref<1x632x128xf32, #tpu.memory_space<hbm>>
      %dma_wait3A_33 = tpu.memref_squeeze %dma_wait3A_32 : memref<1x632x128xf32, #tpu.memory_space<hbm>> -> memref<632x128xf32, #tpu.memory_space<hbm>>
      %dma_wait3A_34 = arith.constant 0 : i32
      %dma_wait3A_35 = tpu.memref_slice %arg12[%mul3A_25, %dma_wait3A_34] : memref<10112x128xf32, #tpu.memory_space<vmem_shared>> -> memref<632x128xf32, #tpu.memory_space<vmem_shared>>
      tpu.wait_dma2 semaphore(%run_scoped3A : memref<!tpu.dma_semaphore, #tpu.memory_space<semaphore_mem>>) src(%dma_wait3A_35 : memref<632x128xf32, #tpu.memory_space<vmem_shared>>) dst(%dma_wait3A_33 : memref<632x128xf32, #tpu.memory_space<hbm>>)
      tpu.yield
    }) : () -> ()
    return
  }
}

module attributes {stable_mosaic.version = 14 : i64} {
  func.func @_edge_mlp_body(%arg0: i32, %arg1: memref<5000x4xf32, #tpu.memory_space<vmem>>, %arg2: memref<64x4xf32, #tpu.memory_space<vmem>>, %arg3: memref<64xf32, #tpu.memory_space<vmem>>, %arg4: memref<1x64xf32, #tpu.memory_space<vmem>>, %arg5: memref<1xf32, #tpu.memory_space<smem>>, %arg6: memref<5000x1xf32, #tpu.memory_space<vmem>>) attributes {dimension_semantics = [#tpu.dimension_semantics<arbitrary>], iteration_bounds = array<i64: 64>, scalar_prefetch = 0 : i64, scratch_operands = 0 : i64, tpu.core_type = #tpu.core_type<tc>, window_params = [{transform_indices = @transform_0, window_bounds = array<i64: 5000, 4>}, {pipeline_mode = #tpu.pipeline_mode<synchronous>, transform_indices = @transform_1, window_bounds = array<i64: 64, 4>}, {pipeline_mode = #tpu.pipeline_mode<synchronous>, transform_indices = @transform_2, window_bounds = array<i64: 64>}, {pipeline_mode = #tpu.pipeline_mode<synchronous>, transform_indices = @transform_3, window_bounds = array<i64: 1, 64>}, {transform_indices = @transform_4, window_bounds = array<i64: 1>}, {transform_indices = @transform_5, window_bounds = array<i64: 5000, 1>}]} {
    %get3A = arith.constant 0 : index
    %get3A_0 = arith.constant 0 : index
    %get3A_1 = vector.load %arg1[%get3A, %get3A_0] : memref<5000x4xf32, #tpu.memory_space<vmem>>, vector<5000x4xf32>
    %get3A_2 = arith.constant 0 : index
    %get3A_3 = arith.constant 0 : index
    %get3A_4 = vector.load %arg2[%get3A_2, %get3A_3] : memref<64x4xf32, #tpu.memory_space<vmem>>, vector<64x4xf32>
    %dot_general3A = arith.constant dense<0.000000e+00> : vector<5000x64xf32>
    %dot_general3A_5 = tpu.matmul %get3A_1, %get3A_4, %dot_general3A {dimension_numbers = #tpu.dot_dimension_numbers<[1], [1], [0], [0], [0, 0, 1, 0], [], []>, transpose_lhs_hint = false} : vector<5000x4xf32>, vector<64x4xf32>, vector<5000x64xf32> -> vector<5000x64xf32>
    %get3A_6 = arith.constant 0 : index
    %get3A_7 = vector.load %arg3[%get3A_6] : memref<64xf32, #tpu.memory_space<vmem>>, vector<64xf32>
    %broadcast_in_dim3A = vector.shape_cast %get3A_7 : vector<64xf32> to vector<1x64xf32>
    %add3A = vector.broadcast %broadcast_in_dim3A : vector<1x64xf32> to vector<5000x64xf32>
    %add3A_8 = arith.addf %dot_general3A_5, %add3A : vector<5000x64xf32>
    %mul3A = arith.constant 5.000000e-01 : f32
    %mul3A_9 = vector.broadcast %mul3A : f32 to vector<5000x64xf32>
    %mul3A_10 = arith.mulf %mul3A_9, %add3A_8 : vector<5000x64xf32>
    %tanh3A = math.tanh %mul3A_10 : vector<5000x64xf32>
    %add3A_11 = arith.constant 1.000000e+00 : f32
    %add3A_12 = vector.broadcast %add3A_11 : f32 to vector<5000x64xf32>
    %add3A_13 = arith.addf %add3A_12, %tanh3A : vector<5000x64xf32>
    %mul3A_14 = arith.constant 5.000000e-01 : f32
    %mul3A_15 = vector.broadcast %mul3A_14 : f32 to vector<5000x64xf32>
    %mul3A_16 = arith.mulf %mul3A_15, %add3A_13 : vector<5000x64xf32>
    %mul3A_17 = arith.mulf %add3A_8, %mul3A_16 : vector<5000x64xf32>
    %get3A_18 = arith.constant 0 : index
    %get3A_19 = arith.constant 0 : index
    %get3A_20 = vector.load %arg4[%get3A_18, %get3A_19] : memref<1x64xf32, #tpu.memory_space<vmem>>, vector<1x64xf32>
    %mul3A_21 = vector.broadcast %get3A_20 : vector<1x64xf32> to vector<5000x64xf32>
    %mul3A_22 = arith.mulf %mul3A_17, %mul3A_21 : vector<5000x64xf32>
    %reduce_sum3A = arith.constant dense<0.000000e+00> : vector<5000xf32>
    %reduce_sum3A_23 = vector.multi_reduction <add>, %mul3A_22, %reduce_sum3A [1] : vector<5000x64xf32> to vector<5000xf32>
    %broadcast_in_dim3A_24 = vector.shape_cast %reduce_sum3A_23 : vector<5000xf32> to vector<5000x1xf32>
    %get3A_25 = arith.constant 0 : index
    %get3A_26 = memref.load %arg5[%get3A_25] : memref<1xf32, #tpu.memory_space<smem>>
    %add3A_27 = vector.broadcast %get3A_26 : f32 to vector<5000x1xf32>
    %add3A_28 = arith.addf %broadcast_in_dim3A_24, %add3A_27 : vector<5000x1xf32>
    %mul3A_29 = arith.constant 5.000000e-01 : f32
    %mul3A_30 = vector.broadcast %mul3A_29 : f32 to vector<5000x1xf32>
    %mul3A_31 = arith.mulf %mul3A_30, %add3A_28 : vector<5000x1xf32>
    %tanh3A_32 = math.tanh %mul3A_31 : vector<5000x1xf32>
    %add3A_33 = arith.constant 1.000000e+00 : f32
    %add3A_34 = vector.broadcast %add3A_33 : f32 to vector<5000x1xf32>
    %add3A_35 = arith.addf %add3A_34, %tanh3A_32 : vector<5000x1xf32>
    %mul3A_36 = arith.constant 5.000000e-01 : f32
    %mul3A_37 = vector.broadcast %mul3A_36 : f32 to vector<5000x1xf32>
    %mul3A_38 = arith.mulf %mul3A_37, %add3A_35 : vector<5000x1xf32>
    %swap3A = arith.constant 0 : index
    %swap3A_39 = arith.constant 0 : index
    %swap3A_40 = vector.load %arg6[%swap3A, %swap3A_39] : memref<5000x1xf32, #tpu.memory_space<vmem>>, vector<5000x1xf32>
    tpu.vector_store %arg6[%swap3A, %swap3A_39], %mul3A_38 {strides = array<i32>} : memref<5000x1xf32, #tpu.memory_space<vmem>>, vector<5000x1xf32>,
    return
  }
  func.func @transform_0(%arg0: i32) -> (i32, i32) {
    %c0_i32 = arith.constant 0 : i32
    %c0_i32_0 = arith.constant 0 : i32
    return %arg0, %c0_i32 : i32, i32
  }
  func.func @transform_1(%arg0: i32) -> (i32, i32) {
    %c0_i32 = arith.constant 0 : i32
    %c0_i32_0 = arith.constant 0 : i32
    %c0_i32_1 = arith.constant 0 : i32
    return %c0_i32, %c0_i32_0 : i32, i32
  }
  func.func @transform_2(%arg0: i32) -> i32 {
    %c0_i32 = arith.constant 0 : i32
    %c0_i32_0 = arith.constant 0 : i32
    return %c0_i32 : i32
  }
  func.func @transform_3(%arg0: i32) -> (i32, i32) {
    %c0_i32 = arith.constant 0 : i32
    %c0_i32_0 = arith.constant 0 : i32
    %c0_i32_1 = arith.constant 0 : i32
    return %c0_i32, %c0_i32_0 : i32, i32
  }
  func.func @transform_4(%arg0: i32) -> i32 {
    %c0_i32 = arith.constant 0 : i32
    %c0_i32_0 = arith.constant 0 : i32
    return %c0_i32 : i32
  }
  func.func @transform_5(%arg0: i32) -> (i32, i32) {
    %c0_i32 = arith.constant 0 : i32
    %c0_i32_0 = arith.constant 0 : i32
    return %arg0, %c0_i32 : i32, i32
  }
}

module attributes {stable_mosaic.version = 14 : i64} {
  func.func @_lin_body(%arg0: i32, %arg1: memref<2000x128xf32, #tpu.memory_space<vmem>>, %arg2: memref<128x128xf32, #tpu.memory_space<vmem>>, %arg3: memref<2000x128xf32, #tpu.memory_space<vmem>>) attributes {dimension_semantics = [#tpu.dimension_semantics<arbitrary>], iteration_bounds = array<i64: 5>, scalar_prefetch = 0 : i64, scratch_operands = 0 : i64, tpu.core_type = #tpu.core_type<tc>, window_params = [{transform_indices = @transform_0, window_bounds = array<i64: 2000, 128>}, {pipeline_mode = #tpu.pipeline_mode<synchronous>, transform_indices = @transform_1, window_bounds = array<i64: 128, 128>}, {transform_indices = @transform_2, window_bounds = array<i64: 2000, 128>}]} {
    %get3A = arith.constant 0 : index
    %get3A_0 = arith.constant 0 : index
    %get3A_1 = vector.load %arg1[%get3A, %get3A_0] : memref<2000x128xf32, #tpu.memory_space<vmem>>, vector<2000x128xf32>
    %get3A_2 = arith.constant 0 : index
    %get3A_3 = arith.constant 0 : index
    %get3A_4 = vector.load %arg2[%get3A_2, %get3A_3] : memref<128x128xf32, #tpu.memory_space<vmem>>, vector<128x128xf32>
    %dot_general3A = arith.constant dense<0.000000e+00> : vector<2000x128xf32>
    %dot_general3A_5 = tpu.matmul %get3A_1, %get3A_4, %dot_general3A {dimension_numbers = #tpu.dot_dimension_numbers<[1], [1], [0], [0], [0, 0, 1, 0], [], []>, transpose_lhs_hint = false} : vector<2000x128xf32>, vector<128x128xf32>, vector<2000x128xf32> -> vector<2000x128xf32>
    %swap3A = arith.constant 0 : index
    %swap3A_6 = arith.constant 0 : index
    %swap3A_7 = vector.load %arg3[%swap3A, %swap3A_6] : memref<2000x128xf32, #tpu.memory_space<vmem>>, vector<2000x128xf32>
    tpu.vector_store %arg3[%swap3A, %swap3A_6], %dot_general3A_5 {strides = array<i32>} : memref<2000x128xf32, #tpu.memory_space<vmem>>, vector<2000x128xf32>,
    return
  }
  func.func @transform_0(%arg0: i32) -> (i32, i32) {
    %c0_i32 = arith.constant 0 : i32
    %c0_i32_0 = arith.constant 0 : i32
    return %arg0, %c0_i32 : i32, i32
  }
  func.func @transform_1(%arg0: i32) -> (i32, i32) {
    %c0_i32 = arith.constant 0 : i32
    %c0_i32_0 = arith.constant 0 : i32
    %c0_i32_1 = arith.constant 0 : i32
    return %c0_i32, %c0_i32_0 : i32, i32
  }
  func.func @transform_2(%arg0: i32) -> (i32, i32) {
    %c0_i32 = arith.constant 0 : i32
    %c0_i32_0 = arith.constant 0 : i32
    return %arg0, %c0_i32 : i32, i32
  }
}

module attributes {stable_mosaic.version = 14 : i64} {
  func.func @_dinv_body(%arg0: memref<32x10112xf32, #tpu.memory_space<vmem>>, %arg1: memref<10000x128xf32, #tpu.memory_space<vmem>>, %arg2: memref<10112x1xf32, #tpu.memory_space<vmem>>, %arg3: memref<10000x128xf32, #tpu.memory_space<vmem>>) attributes {dimension_semantics = [], scalar_prefetch = 0 : i64, scratch_operands = 0 : i64, tpu.core_type = #tpu.core_type<tc>} {
    %get3A = arith.constant 0 : index
    %get3A_0 = arith.constant 0 : index
    %get3A_1 = vector.load %arg0[%get3A, %get3A_0] : memref<32x10112xf32, #tpu.memory_space<vmem>>, vector<32x10112xf32>
    %reduce_sum3A = arith.constant dense<0.000000e+00> : vector<10112xf32>
    %reduce_sum3A_2 = vector.multi_reduction <add>, %get3A_1, %reduce_sum3A [0] : vector<32x10112xf32> to vector<10112xf32>
    %add3A = arith.constant 1.000000e+00 : f32
    %add3A_3 = vector.broadcast %add3A : f32 to vector<10112xf32>
    %add3A_4 = arith.addf %reduce_sum3A_2, %add3A_3 : vector<10112xf32>
    %rsqrt3A = math.rsqrt %add3A_4 : vector<10112xf32>
    %broadcast_in_dim3A = vector.shape_cast %rsqrt3A : vector<10112xf32> to vector<10112x1xf32>
    %swap3A = arith.constant 0 : index
    %swap3A_5 = arith.constant 0 : index
    %swap3A_6 = vector.load %arg2[%swap3A, %swap3A_5] : memref<10112x1xf32, #tpu.memory_space<vmem>>, vector<10112x1xf32>
    tpu.vector_store %arg2[%swap3A, %swap3A_5], %broadcast_in_dim3A {strides = array<i32>} : memref<10112x1xf32, #tpu.memory_space<vmem>>, vector<10112x1xf32>,
    %slice3A = vector.extract_strided_slice %rsqrt3A {offsets = [0], sizes = [10000], strides = [1]} : vector<10112xf32> to vector<10000xf32>
    %broadcast_in_dim3A_7 = vector.shape_cast %slice3A : vector<10000xf32> to vector<10000x1xf32>
    %get3A_8 = arith.constant 0 : index
    %get3A_9 = arith.constant 0 : index
    %get3A_10 = vector.load %arg1[%get3A_8, %get3A_9] : memref<10000x128xf32, #tpu.memory_space<vmem>>, vector<10000x128xf32>
    %mul3A = vector.broadcast %broadcast_in_dim3A_7 : vector<10000x1xf32> to vector<10000x128xf32>
    %mul3A_11 = arith.mulf %mul3A, %get3A_10 : vector<10000x128xf32>
    %swap3A_12 = arith.constant 0 : index
    %swap3A_13 = arith.constant 0 : index
    %swap3A_14 = vector.load %arg3[%swap3A_12, %swap3A_13] : memref<10000x128xf32, #tpu.memory_space<vmem>>, vector<10000x128xf32>
    tpu.vector_store %arg3[%swap3A_12, %swap3A_13], %mul3A_11 {strides = array<i32>} : memref<10000x128xf32, #tpu.memory_space<vmem>>, vector<10000x128xf32>,
    return
  }
}

module attributes {stable_mosaic.version = 14 : i64} {
  func.func @_final_body(%arg0: i32, %arg1: memref<2x2000x128xf32, #tpu.memory_space<vmem>>, %arg2: memref<2000x1xf32, #tpu.memory_space<vmem>>, %arg3: memref<2000x128xf32, #tpu.memory_space<vmem>>, %arg4: memref<128xf32, #tpu.memory_space<vmem>>, %arg5: memref<2000x128xf32, #tpu.memory_space<vmem>>) attributes {dimension_semantics = [#tpu.dimension_semantics<arbitrary>], iteration_bounds = array<i64: 5>, scalar_prefetch = 0 : i64, scratch_operands = 0 : i64, tpu.core_type = #tpu.core_type<tc>, window_params = [{transform_indices = @transform_0, window_bounds = array<i64: 2, 2000, 128>}, {transform_indices = @transform_1, window_bounds = array<i64: 2000, 1>}, {transform_indices = @transform_2, window_bounds = array<i64: 2000, 128>}, {pipeline_mode = #tpu.pipeline_mode<synchronous>, transform_indices = @transform_3, window_bounds = array<i64: 128>}, {transform_indices = @transform_4, window_bounds = array<i64: 2000, 128>}]} {
    %get3A = arith.constant 0 : index
    %get3A_0 = arith.constant 0 : index
    %get3A_1 = vector.load %arg2[%get3A, %get3A_0] : memref<2000x1xf32, #tpu.memory_space<vmem>>, vector<2000x1xf32>
    %get3A_2 = arith.constant 0 : index
    %get3A_3 = arith.constant 0 : index
    %get3A_4 = arith.constant 0 : index
    %get3A_5 = vector.load %arg1[%get3A_2, %get3A_3, %get3A_4] : memref<2x2000x128xf32, #tpu.memory_space<vmem>>, vector<1x2000x128xf32>
    %get3A_6 = vector.shape_cast %get3A_5 : vector<1x2000x128xf32> to vector<2000x128xf32>
    %get3A_7 = arith.constant 1 : index
    %get3A_8 = arith.constant 0 : index
    %get3A_9 = arith.constant 0 : index
    %get3A_10 = vector.load %arg1[%get3A_7, %get3A_8, %get3A_9] : memref<2x2000x128xf32, #tpu.memory_space<vmem>>, vector<1x2000x128xf32>
    %get3A_11 = vector.shape_cast %get3A_10 : vector<1x2000x128xf32> to vector<2000x128xf32>
    %add3A = arith.addf %get3A_6, %get3A_11 : vector<2000x128xf32>
    %get3A_12 = arith.constant 0 : index
    %get3A_13 = arith.constant 0 : index
    %get3A_14 = vector.load %arg3[%get3A_12, %get3A_13] : memref<2000x128xf32, #tpu.memory_space<vmem>>, vector<2000x128xf32>
    %mul3A = vector.broadcast %get3A_1 : vector<2000x1xf32> to vector<2000x128xf32>
    %mul3A_15 = arith.mulf %mul3A, %get3A_14 : vector<2000x128xf32>
    %add3A_16 = arith.addf %add3A, %mul3A_15 : vector<2000x128xf32>
    %mul3A_17 = vector.broadcast %get3A_1 : vector<2000x1xf32> to vector<2000x128xf32>
    %mul3A_18 = arith.mulf %mul3A_17, %add3A_16 : vector<2000x128xf32>
    %get3A_19 = arith.constant 0 : index
    %get3A_20 = vector.load %arg4[%get3A_19] : memref<128xf32, #tpu.memory_space<vmem>>, vector<128xf32>
    %broadcast_in_dim3A = vector.shape_cast %get3A_20 : vector<128xf32> to vector<1x128xf32>
    %add3A_21 = vector.broadcast %broadcast_in_dim3A : vector<1x128xf32> to vector<2000x128xf32>
    %add3A_22 = arith.addf %mul3A_18, %add3A_21 : vector<2000x128xf32>
    %swap3A = arith.constant 0 : index
    %swap3A_23 = arith.constant 0 : index
    %swap3A_24 = vector.load %arg5[%swap3A, %swap3A_23] : memref<2000x128xf32, #tpu.memory_space<vmem>>, vector<2000x128xf32>
    tpu.vector_store %arg5[%swap3A, %swap3A_23], %add3A_22 {strides = array<i32>} : memref<2000x128xf32, #tpu.memory_space<vmem>>, vector<2000x128xf32>,
    return
  }
  func.func @transform_0(%arg0: i32) -> (i32, i32, i32) {
    %c0_i32 = arith.constant 0 : i32
    %c0_i32_0 = arith.constant 0 : i32
    %c0_i32_1 = arith.constant 0 : i32
    return %c0_i32, %arg0, %c0_i32_0 : i32, i32, i32
  }
  func.func @transform_1(%arg0: i32) -> (i32, i32) {
    %c0_i32 = arith.constant 0 : i32
    %c0_i32_0 = arith.constant 0 : i32
    return %arg0, %c0_i32 : i32, i32
  }
  func.func @transform_2(%arg0: i32) -> (i32, i32) {
    %c0_i32 = arith.constant 0 : i32
    %c0_i32_0 = arith.constant 0 : i32
    return %arg0, %c0_i32 : i32, i32
  }
  func.func @transform_3(%arg0: i32) -> i32 {
    %c0_i32 = arith.constant 0 : i32
    %c0_i32_0 = arith.constant 0 : i32
    return %c0_i32 : i32
  }
  func.func @transform_4(%arg0: i32) -> (i32, i32) {
    %c0_i32 = arith.constant 0 : i32
    %c0_i32_0 = arith.constant 0 : i32
    return %arg0, %c0_i32 : i32, i32
  }
}

</mosaic_0001>

<sc_bundles>
// kernel: kernel.11.cloned.1.call-start
scs
__scs_entry_jumppad:
0x0: {  	(pc) =	sbr.rel $0x88, $3  }
0x1: {  	(tag) =	ssettag $0x0;
	lr =	simm.s32 $0x1  }
0x2: {  	[smem:$0x3F98] =	sst lr;
	_ =	strace $0xD0000000  }
0x3: {  	_ = 	snop  }
0x4: {  	_ = 	snop  }
0x5: {  	_ = 	snop  }
0x6: {  	_ = 	snop  }
0x7: {  	_ = 	snop  }
__scs_overlays_trampoline_lowered:
0x8: {  	[smem:$0x3FA7] =	sst s0  }
0x9: {  	[smem:$0x3FA8] =	sst s1  }
0xa: {  	[smem:$0x3FA9] =	sst s2  }
0xb: {  	[smem:$0x3FAA] =	sst s3  }
0xc: {  	[smem:$0x3FAB] =	sst s4  }
0xd: {  	[smem:$0x3FAC] =	sst s5  }
0xe: {  	[smem:$0x3FAD] =	sst s6  }
0xf: {  	[smem:$0x3FAE] =	sst s7  }
0x10: {  	[smem:$0x3FAF] =	sst s8  }
0x11: {  	[smem:$0x3FB0] =	sst s9;
	s0 =	simm.s32 @!p0 $0x0  }
0x12: {  	s1 =	sld [smem:$0x3F96];
	s0 =	simm.s32 @p0 $0x1  }
0x13: {  	[smem:$0x3FB1] =	sst s0;
	s0 =	simm.s32 @!p1 $0x0  }
0x14: {  	s2 =	sld [smem:$0x3F95];
	s0 =	simm.s32 @p1 $0x1  }
0x15: {  	[smem:$0x3FB2] =	sst s0;
	s0 =	simm.s32 @!p2 $0x0  }
0x16: {  	s3 =	sld [smem:$0x3FDB];
	s0 =	simm.s32 @p2 $0x1  }
0x17: {  	s4 =	simm.s32 $0x1BF5;
	[smem:$0x3FB4] =	sst s0  }
0x18: {  	s0 =	sld [smem:$0x3F97];
	_ =	swait.ge [sflag:s4], $0x0  }
0x19: {  	s7 =	sld [smem:$0x3F98]  }
0x1a: {  	s8 =	sadd.s32 $0xFFFFE003, lr  }
0x1b: {  	s9 =	sadd.s32 $0xFFFFFEF7, lr;
	s5 =	simm.s32 $0xFFFFFFFF;
	p2 =	slt.u32 s8, $0xFFFFF086  }
0x1c: {  	p1 =	slt.u32 s9, $0xF7A;
	s5 =	simm.s32 @!p2 $0x0  }
0x1d: {  	s5 =	simm.s32 @p1 $0x1;
	p0 =	seq.s32 s7, s2  }
0x1e: {  	s7 =	smul.u32 @!p0 $0xF7A, s2;
	p2 =	seq.s32 @!p0 s5, $0x0  }
0x1f: {  	s9 =	smul.u32 $0xF7A, s1;
	s8 =	simm.s32 @!p0 $0x1BF5;
	p2 =	por !p2, p0  }
0x20: {  	[sflag:s8] =	ssyncset.s32 @!p0 $0xFFFFF086;
	s6 =	sadd.s32 @!p0 s3, s7;
	s7 =	simm.s32 @!p0 $0x108  }
0x21: {  	s3 =	sadd.s32 s3, s9;
	s6 =	sadd.s32 @!p0 $0x88, s6;
	s7 =	simm.s32 @p2 $0x1082  }
0x22: {  	[simem:s7], [sflag:s8] =	dma.local @!p0 [hbm:s6], $0xF7A  }
0x23: {  	s9 =	sor.u32 $0xD0000000, s2;
	s6 =	simm.s32 $0x108;
	_ =	swait.ge @!p0 [sflag:s8], $0x0  }
0x24: {  	s3 =	sadd.s32 $0x88, s3;
	s6 =	simm.s32 @!p1 $0x1082;
	[sflag:s4] =	ssyncset.s32 $0xFFFFF086  }
0x25: {  	[simem:s6], [sflag:s4] =	dma.local [hbm:s3], $0xF7A  }
0x26: {  	[smem:$0x3F98] =	sst s1;
	(tag) =	ssettag s2;
	_ =	strace s9  }
0x27: {  	s1 =	sld [smem:$0x3FA8]  }
0x28: {  	s2 =	sld [smem:$0x3FA9]  }
0x29: {  	s4 =	sld [smem:$0x3FAB]  }
0x2a: {  	p0 =	seq.s32 s5, $0x0;
	s5 =	sld [smem:$0x3FAC]  }
0x2b: {  	s6 =	sld [smem:$0x3FAD]  }
0x2c: {  	s7 =	sld [smem:$0x3FAE]  }
0x2d: {  	s3 =	simm.s32 $0x108;
	s8 =	sld [smem:$0x3FAF]  }
0x2e: {  	s3 =	simm.s32 @!p0 $0x1082;
	s9 =	sld [smem:$0x3FB0]  }
0x2f: {  	lr =	sadd.s32 s0, s3;
	s0 =	sld [smem:$0x3FA7]  }
0x30: {  	s3 =	sld [smem:$0x3FAA]  }
0x31: {  	[smem:$0x3FB3] =	sst s10  }
0x32: {  	s10 =	sld [smem:$0x3FB1];
	_ =	sdelay $0x3  }
0x33: {  	p0 =	seq.s32 s10, $0x1;
	s10 =	sld [smem:$0x3FB3];
	_ =	sdelay $0x3  }
0x34: {  	[smem:$0x3FB3] =	sst s10  }
0x35: {  	s10 =	sld [smem:$0x3FB2];
	_ =	sdelay $0x3  }
0x36: {  	p1 =	seq.s32 s10, $0x1;
	s10 =	sld [smem:$0x3FB3];
	_ =	sdelay $0x3  }
0x37: {  	[smem:$0x3FB3] =	sst s10  }
0x38: {  	s10 =	sld [smem:$0x3FB4]  }
0x39: {  	_ = 	snop;
	(pc) =	sbr.ind lr, $3  }
0x3a: {  	_ = 	snop  }
0x3b: {  	_ = 	snop  }
0x3c: {  	p2 =	seq.s32 s10, $0x1;
	s10 =	sld [smem:$0x3FB3]  }
0x3d: {  	_ =	shalt  }
0x3e: {  	_ =	shalt  }
0x3f: {  	_ =	shalt  }
0x40: {  	_ =	shalt  }
0x41: {  	_ =	shalt  }
0x42: {  	_ =	shalt  }
0x43: {  	_ =	shalt  }
0x44: {  	_ =	shalt  }
0x45: {  	_ =	shalt  }
0x46: {  	_ =	shalt  }
0x47: {  	_ =	shalt  }
0x48: {  	_ =	shalt  }
0x49: {  	_ =	shalt  }
0x4a: {  	_ =	shalt  }
0x4b: {  	_ =	shalt  }
0x4c: {  	_ =	shalt  }
0x4d: {  	_ =	shalt  }
0x4e: {  	_ =	shalt  }
0x4f: {  	_ =	shalt  }
0x50: {  	_ =	shalt  }
0x51: {  	_ =	shalt  }
0x52: {  	_ =	shalt  }
0x53: {  	_ =	shalt  }
0x54: {  	_ =	shalt  }
0x55: {  	_ =	shalt  }
0x56: {  	_ =	shalt  }
0x57: {  	_ =	shalt  }
0x58: {  	_ =	shalt  }
0x59: {  	_ =	shalt  }
0x5a: {  	_ =	shalt  }
0x5b: {  	_ =	shalt  }
0x5c: {  	_ =	shalt  }
0x5d: {  	_ =	shalt  }
0x5e: {  	_ =	shalt  }
0x5f: {  	_ =	shalt  }
0x60: {  	_ =	shalt  }
0x61: {  	_ =	shalt  }
0x62: {  	_ =	shalt  }
0x63: {  	_ =	shalt  }
0x64: {  	_ =	shalt  }
0x65: {  	_ =	shalt  }
0x66: {  	_ =	shalt  }
0x67: {  	_ =	shalt  }
0x68: {  	_ =	shalt  }
0x69: {  	_ =	shalt  }
0x6a: {  	_ =	shalt  }
0x6b: {  	_ =	shalt  }
0x6c: {  	_ =	shalt  }
0x6d: {  	_ =	shalt  }
0x6e: {  	_ =	shalt  }
0x6f: {  	_ =	shalt  }
0x70: {  	_ =	shalt  }
0x71: {  	_ =	shalt  }
0x72: {  	_ =	shalt  }
0x73: {  	_ =	shalt  }
0x74: {  	_ =	shalt  }
0x75: {  	_ =	shalt  }
0x76: {  	_ =	shalt  }
0x77: {  	_ =	shalt  }
0x78: {  	_ =	shalt  }
0x79: {  	_ =	shalt  }
0x7a: {  	_ =	shalt  }
0x7b: {  	_ =	shalt  }
0x7c: {  	_ =	shalt  }
0x7d: {  	_ =	shalt  }
0x7e: {  	_ =	shalt  }
0x7f: {  	_ =	shalt  }
0x80: {  	_ =	shalt  }
0x81: {  	_ =	shalt  }
0x82: {  	_ =	shalt  }
0x83: {  	_ =	shalt  }
0x84: {  	_ =	shalt  }
0x85: {  	_ =	shalt  }
0x86: {  	_ =	shalt  }
0x87: {  	_ =	shalt  }
.Lfunc_end0:
.L_simem_size_0:
called_computation.1_lowered:
.L_overlay_start_0:
0x88: {  	s2 =	sld [smem:$0x3FD9]  }
0x89: {  	s3 =	sld [smem:$0x3FFE];
	_ =	sdelay $0x1  }
0x8a: {  	s1 =	srdreg.scid  }
0x8b: {  	s0 =	sand.u32 $0x1, s1  }
0x8c: {  	s17 =	sshll.u32 s0, $0xA;
	s2 =	sadd.s32 s3, s2  }
0x8d: {  	s2 =	sadd.s32 s2, s17  }
0x8e: {  	[smem:$0x3FBF] =	sst s2  }
0x8f: {  	_ = 	snop  }
0x90: {  	s2 =	sld [smem:$0x3FD0];
	(tm) =	ssettm $0x1  }
0x91: {  	s18 =	sld [smem:$0x3FFB];
	_ =	sdelay $0x3  }
0x92: {  	_ =	strace s18  }
0x93: {  	s3 =	sld [smem:$0x3FFC];
	_ =	sdelay $0x3  }
0x94: {  	_ =	strace s3  }
0x95: {  	s3 =	sld [smem:$0x3FFD];
	_ =	sdelay $0x3  }
0x96: {  	_ =	strace s3  }
0x97: {  	_ =	strace $0x8FFFFFFF  }
0x98: {  	s19 =	sld [smem:$0x3FDB];
	_ =	sdelay $0x1  }
0x99: {  	s4 =	simm.s32 $_scs_section_size  }
0x9a: {  	s5 =	simm.s32 $_size__tile_overlayer_lowered;
	s6 =	simm.s32 $_tile_overlayer_lowered  }
0x9b: {  	s22 =	simm.s32 $0x1BFF;
	s21 =	sshll.u32 s6, $0x1;
	s3 =	sadd.s32 s4, s19  }
0x9c: {  	s7 =	simm.s32 $0x0;
	s20 =	sshll.u32 s5, $0x1;
	s5 =	sadd.s32 s21, s3  }
0x9d: {  	[timem:s7], [sflag:s22] =	dma.local [hbm:s5], s20  }
0x9e: {  	_ =	swait.ge [sflag:s22], s20  }
0x9f: {  	s4 =	ssub.s32 $0x0, s20;
	[sflag:s22] =	ssyncset.done $0x0  }
0xa0: {  	[sflag:s22] =	ssyncadd.s32 s4;
	_ =	sdelay $0x1  }
0xa1: {  	s23 =	simm.s32 $0x1B8B  }
0xa2: {  	_ =	swait.ge [sflag:s23], $0x1  }
0xa3: {  	[sflag:s23] =	ssyncset.done $0x0  }
0xa4: {  	s25 =	simm.s32 $0x1B8E;
	s24 =	sld [smem:$0x3FFE];
	[sflag:s23] =	ssyncadd.s32 $0xFFFFFFFF  }
0xa5: {  	s26 =	simm.s32 $execute0_lowered;
	[smem:$0x3FD2] =	sst s25  }
0xa6: {  	s5 =	sshll.u32 s26, $0x1;
	_ =	strace $0x80000049;
	[dreg:$0x1] =	wrdreg $0xFFFFFFFF  }
0xa7: {  	s28 =	simm.s32 $_size_execute0_lowered;
	s3 =	sadd.s32 s3, s5;
	[dreg:$0x0] =	wrdreg $0x0  }
0xa8: {  	s5 =	sshll.u32 s28, $0x1;
	[dreg:$0x2] =	wrdreg s3  }
0xa9: {  	[dreg:$0x3] =	wrdreg s5  }
0xaa: {  	[dreg:$0x4] =	wrdreg $0xC0  }
0xab: {  	_ =	task [dreg:s7], $0x5FFFF  }
0xac: {  	[dreg:$0x1] =	wrdreg $0xFFFFFFFF  }
0xad: {  	[dreg:$0x0] =	wrdreg $0x60  }
0xae: {  	[dreg:$0x2] =	wrdreg s24  }
0xaf: {  	[dreg:$0x3] =	wrdreg s2  }
0xb0: {  	[dreg:$0x4] =	wrdreg $0xBC000  }
0xb1: {  	[dreg:$0x5] =	wrdreg $0x9  }
0xb2: {  	_ =	task.clear_ibuf [dreg:s7], $0x6FFFF;
	_ =	strace $0x90000049  }
0xb3: {  	s29 =	simm.s32 $0x9;
	_ =	strace $0x8000004B  }
0xb4: {  	_ =	swait.ge [sflag:s29], $0x1  }
0xb5: {  	[sflag:s29] =	ssyncadd.s32 $0xFFFFFFFF  }
0xb6: {  	_ =	strace $0x9000004B  }
0xb7: {  	_ =	sfence  }
0xb8: {  	s30 =	sld [smem:$0x0];
	_ =	sdelay $0x2  }
0xb9: {  	s31 =	sshll.u32 s1, $0xD;
	s1 =	sshrl.u32 s1, $0x2  }
0xba: {  	s3 =	sand.u32 $0x4000, s31;
	s1 =	sadd.s32 s1, s30  }
0xbb: {  	s0 =	sor.u32 s3, s0;
	s1 =	sshll.u32 s1, $0x11  }
0xbc: {  	s0 =	sor.u32 s1, s0  }
0xbd: {  	s0 =	sadd.s32 $0x8F2B, s0  }
0xbe: {  	[sflag:s0] =	ssyncadd.remote.s32 $0x1  }
0xbf: {  	_ =	sfence.sel $0xFFFF  }
0xc0: {  	[dreg:$0x0] =	wrdreg $0xFFFFFFFF;
	(pc) =	sbr.abs _section_cstart, $3  }
0xc1: {  	[dreg:$0x1] =	wrdreg $0xFFFFFFFF  }
0xc2: {  	_ =	task.clear_ibuf [dreg:s7], $0x2FFFF;
	_ =	strace $0x9FFFFFFF  }
0xc3: {  	(tm) =	ssettm $0x7FFFFFFF  }
tec
execute0_lowered:
.L_overlay_start_1:
0x0: {  	(tag) =	ssettag $0x1  }
0x1: {  	s1 =	srdreg.scid;
	s5 =	rddreg [dreg:$0x0]  }
0x2: {  	s0 =	stileid.u32;
	s2 =	rddreg [dreg:$0x1]  }
0x3: {  	s3 =	rddreg [dreg:$0x2];
	s4 =	simm.s32 $0x0;
	s13 =	simm.s32 $0x2800  }
0x4: {  	s14 =	simm.s32 $0x5000;
	s15 =	simm.s32 $0x80;
	s16 =	simm.s32 $0x7800  }
0x5: {  	s17 =	simm.s32 $0x1;
	s6 =	sand.u32 $0x1, s1;
	s9 =	smul.u32 $0x13C00, s0  }
0x6: {  	s26 =	sshll.u32 s0, $0x1;
	[smem:$0x7FF] =	sst s4;
	s10 =	smul.u32 $0x4F000, s0  }
0x7: {  	s18 =	sshll.u32 s0, $0x6;
	s1 =	sor.u32 s6, s26;
	s8 =	smul.u32 $0x13C000, s6  }
0x8: {  	s6 =	ssub.s32 $0x2, s6;
	s18 =	sor.u32 $0x1C02, s18;
	s7 =	smul.u32 $0x500, s1  }
0x9: {  	s1 =	rddreg [dreg:$0x3];
	_ =	strace $0x8000004A;
	s29 =	sshrl.u32 s6, $0x1  }
0xa: {  	s30 =	sshrl.u32 s10, $0x2;
	s28 =	sadd.s32 s9, s8;
	s12 =	ssub.s32 s6, s29  }
0xb: {  	s11 =	sadd.s32 s7, s5;
	s7 =	sshrl.u32 s28, $0x3;
	s10 =	smax.u32 s12, $0x1  }
0xc: {  	s12 =	simm.s32 $0x2;
	s31 =	sadd.s32 s7, s5;
	s5 =	sadd.s32 s30, s3  }
0xd: {  	s6 =	sadd.s32 $0x1FA00, s11;
	s7 =	sadd.s32 $0x15A00, s11;
	s8 =	sadd.s32 $0xBA00, s11  }
0xe: {  	v0 =	vimm.f32 $0.0e+00;
	s11 =	simm.s32 $0xB800;
	s9 =	sadd.s32 $0x29A00, s31;
	s19 =	sshrl.u32 s5, $0x3  }
.LBB2_1:
0xf: {  	[tilespmem:$0xB800] =	vst v0  }
0x10: {  	[tilespmem:$0xB810] =	vst v0  }
0x11: {  	[tilespmem:$0xB820] =	vst v0  }
0x12: {  	[tilespmem:$0xB830] =	vst v0  }
0x13: {  	[tilespmem:$0xB840] =	vst v0  }
0x14: {  	[tilespmem:$0xB850] =	vst v0  }
0x15: {  	[tilespmem:$0xB860] =	vst v0  }
0x16: {  	[tilespmem:$0xB870] =	vst v0  }
0x17: {  	[tilespmem:$0xB880] =	vst v0  }
0x18: {  	[tilespmem:$0xB890] =	vst v0  }
0x19: {  	[tilespmem:$0xB8A0] =	vst v0  }
0x1a: {  	[tilespmem:$0xB8B0] =	vst v0  }
0x1b: {  	[tilespmem:$0xB8C0] =	vst v0  }
0x1c: {  	[tilespmem:$0xB8D0] =	vst v0  }
0x1d: {  	[tilespmem:$0xB8E0] =	vst v0  }
0x1e: {  	[tilespmem:$0xB8F0] =	vst v0  }
0x1f: {  	[tilespmem:$0xB900] =	vst v0  }
0x20: {  	[tilespmem:$0xB910] =	vst v0  }
0x21: {  	[tilespmem:$0xB920] =	vst v0  }
0x22: {  	[tilespmem:$0xB930] =	vst v0  }
0x23: {  	[tilespmem:$0xB940] =	vst v0  }
0x24: {  	[tilespmem:$0xB950] =	vst v0  }
0x25: {  	[tilespmem:$0xB960] =	vst v0  }
0x26: {  	[tilespmem:$0xB970] =	vst v0  }
0x27: {  	[tilespmem:$0xB980] =	vst v0  }
0x28: {  	[tilespmem:$0xB990] =	vst v0  }
0x29: {  	[tilespmem:$0xB9A0] =	vst v0  }
0x2a: {  	[tilespmem:$0xB9B0] =	vst v0  }
0x2b: {  	[tilespmem:$0xB9C0] =	vst v0  }
0x2c: {  	[tilespmem:$0xB9D0] =	vst v0  }
0x2d: {  	[tilespmem:$0xB9E0] =	vst v0  }
0x2e: {  	[tilespmem:$0xB9F0] =	vst v0  }
0x2f: {  	[tilespmem:$0xBA00] =	vst v0  }
0x30: {  	[tilespmem:$0xBA10] =	vst v0  }
0x31: {  	[tilespmem:$0xBA20] =	vst v0  }
0x32: {  	[tilespmem:$0xBA30] =	vst v0  }
0x33: {  	[tilespmem:$0xBA40] =	vst v0  }
0x34: {  	[tilespmem:$0xBA50] =	vst v0  }
0x35: {  	[tilespmem:$0xBA60] =	vst v0  }
0x36: {  	[tilespmem:$0xBA70] =	vst v0  }
0x37: {  	[tilespmem:$0xBA80] =	vst v0  }
0x38: {  	[tilespmem:$0xBA90] =	vst v0  }
0x39: {  	[tilespmem:$0xBAA0] =	vst v0  }
0x3a: {  	[tilespmem:$0xBAB0] =	vst v0  }
0x3b: {  	[tilespmem:$0xBAC0] =	vst v0  }
0x3c: {  	[tilespmem:$0xBAD0] =	vst v0  }
0x3d: {  	[tilespmem:$0xBAE0] =	vst v0  }
0x3e: {  	[tilespmem:$0xBAF0] =	vst v0  }
0x3f: {  	[tilespmem:$0xBB00] =	vst v0  }
0x40: {  	[tilespmem:$0xBB10] =	vst v0  }
0x41: {  	[tilespmem:$0xBB20] =	vst v0  }
0x42: {  	[tilespmem:$0xBB30] =	vst v0  }
0x43: {  	[tilespmem:$0xBB40] =	vst v0  }
0x44: {  	[tilespmem:$0xBB50] =	vst v0  }
0x45: {  	[tilespmem:$0xBB60] =	vst v0  }
0x46: {  	[tilespmem:$0xBB70] =	vst v0  }
0x47: {  	[tilespmem:$0xBB80] =	vst v0  }
0x48: {  	[tilespmem:$0xBB90] =	vst v0  }
0x49: {  	[tilespmem:$0xBBA0] =	vst v0  }
0x4a: {  	[tilespmem:$0xBBB0] =	vst v0  }
0x4b: {  	[tilespmem:$0xBBC0] =	vst v0  }
0x4c: {  	[tilespmem:$0xBBD0] =	vst v0  }
0x4d: {  	[tilespmem:$0xBBE0] =	vst v0  }
0x4e: {  	[tilespmem:$0xBBF0] =	vst v0;
	s20 =	sadd.s32 $0x0, s5  }
0x4f: {  	[spmem:s20] =	stream.linear.scatter [tilespmem:s11], [sflag:$0x2], $0x400, $0x38;
	[tilespmem:$0x1F800] =	vst v63  }
0x50: {  	s20 =	simm.s32 $0x1000;
	_ =	swait.ge [sflag:s12], $0x400  }
.LBB2_2:
0x51: {  	s21 =	sshra.s32 s20, $0x2;
	[sflag:s12] =	ssyncset.done $0x0;
	p0 =	sne.s32 s20, $0x4E000  }
.Ltmp0:
0x52: {  	s21 =	sadd.s32 s21, s5;
	[sflag:s12] =	ssyncadd.s32 $0xFFFFFC00;
	(pc) =	sbr.rel @p0 .LBB2_2-.Ltmp0, $3  }
0x53: {  	[spmem:s21] =	stream.linear.scatter [tilespmem:s11], [sflag:$0x2], $0x400, $0x38;
	[tilespmem:$0x1F800] =	vst v63  }
0x54: {  	s20 =	sadd.s32 $0x1000, s20;
	_ =	sdelay $0x1  }
0x55: {  	_ =	swait.ge [sflag:s12], $0x400  }
0x56: {  	[sflag:s12] =	ssyncset.done $0x0  }
0x57: {  	[sflag:s12] =	ssyncadd.s32 $0xFFFFFC00  }
0x58: {  	s20 =	simm.s32 $0x0;
	[bflag:$0x0] =	sbarrier.arrive $0xFFFF  }
0x59: {  	[tilespmem:s20], [sflag:$0x2] =	stream.linear.gather [hbm4b:s6+s20], $0x2800, $0x38;
	[tilespmem:$0x1F800] =	vst v63  }
0x5a: {  	_ =	swait.ge [sflag:s12], $0x2800  }
0x5b: {  	[sflag:s12] =	ssyncset.done $0x0  }
0x5c: {  	[sflag:s12] =	ssyncadd.s32 $0xFFFFD800  }
0x5d: {  	[tilespmem:s13], [sflag:$0x2] =	stream.linear.gather [hbm4b:s7+s20], $0x2800, $0x38;
	[tilespmem:$0x1F800] =	vst v63  }
0x5e: {  	_ =	swait.ge [sflag:s12], $0x2800  }
0x5f: {  	[sflag:s12] =	ssyncset.done $0x0  }
0x60: {  	[sflag:s12] =	ssyncadd.s32 $0xFFFFD800  }
0x61: {  	[tilespmem:s14], [sflag:$0x2] =	stream.linear.gather [hbm4b:s8+s20], $0x2800, $0x38;
	[tilespmem:$0x1F800] =	vst v63  }
0x62: {  	_ =	swait.ge [sflag:s12], $0x2800  }
0x63: {  	[sflag:s12] =	ssyncset.done $0x0  }
0x64: {  	s21 =	simm.s32 $0x0;
	[sflag:s12] =	ssyncadd.s32 $0xFFFFD800  }
.LBB2_4:
0x65: {  	s22 =	sshll.u32 s21, $0x7;
	v2 =	vmov s20  }
0x66: {  	v1 =	vmov s22;
	v2 =	vand.u32 $0x7F, v2  }
0x67: {  	[tilespmem:s16], [sflag:$0x1] =	stream.indirect.gather [hbm4b:s2+s15], $0x80, s22, s15, $0xb8;
	v2 =	vadd.s32 v1, v2;
	[tilespmem:$0x1F800] =	vst v63  }
0x68: {  	_ =	swait.ge [sflag:s17], $0x4000;
	v2 =	vbroadcast v2, $0x0  }
0x69: {  	[sflag:s17] =	ssyncset.done $0x0  }
0x6a: {  	s23 =	simm.s32 $0x7840;
	[sflag:s17] =	ssyncadd.s32 $0xFFFFC000  }
0x6b: {  	v6 =	vld [tilespmem:s23+$0x30]  }
0x6c: {  	v9 =	vld [tilespmem:s23+$0x10]  }
0x6d: {  	v7 =	vld [tilespmem:s23+$0xFFFFFFC0]  }
0x6e: {  	v3 =	vld.idx.msk [tilespmem:v2+s14+$0x0], $0xffff  }
0x6f: {  	v12 =	vld [tilespmem:s23+$0xFFFFFFE0]  }
0x70: {  	v4 =	vld [tilespmem:s23+$0x20]  }
0x71: {  	v5 =	vld [tilespmem:s23+$0xFFFFFFD0]  }
0x72: {  	v2 =	vld [tilespmem:s23+$0xFFFFFFF0]  }
0x73: {  	v10 =	vmul.f32 v6, v3;
	v6 =	vld [tilespmem:s23+$0x0]  }
0x74: {  	s24 =	simm.s32 $0x1;
	v8 =	vmul.f32 v7, v3  }
0x75: {  	s25 =	simm.s32 $0x2;
	v11 =	vmov s24;
	s24 =	simm.s32 $0x7840;
	v7 =	vmul.f32 v12, v3;
	v9 =	vmul.f32 v9, v3  }
.LBB2_5:
0x76: {  	p0 =	sne.s32 s25, $0x7F  }
0x77: {  	v11 =	vand.u32 $0x7F, v11;
	v5 =	vmul.f32 v5, v3;
	v4 =	vmul.f32 v4, v3;
	[tilespmem:s23+$0x30] =	vst v10;
	s24 =	sadd.s32 $0x80, s24;
	s26 =	smov.u32 s25;
	s25 =	sadd.s32 $0x1, s25  }
0x78: {  	v10 =	vadd.s32 v1, v11;
	[tilespmem:s23+$0xFFFFFFC0] =	vst v8;
	v8 =	vmul.f32 v2, v3;
	v3 =	vmul.f32 v6, v3  }
0x79: {  	v6 =	vbroadcast v10, $0x0;
	[tilespmem:s23+$0x10] =	vst v9  }
0x7a: {  	[tilespmem:s23+$0xFFFFFFE0] =	vst v7  }
0x7b: {  	v2 =	vld [tilespmem:s24+$0xFFFFFFF0];
	[tilespmem:s23+$0xFFFFFFF0] =	vst v8  }
0x7c: {  	v7 =	vld [tilespmem:s24+$0x30];
	[tilespmem:s23+$0x0] =	vst v3  }
0x7d: {  	v9 =	vld [tilespmem:s24+$0x10];
	[tilespmem:s23+$0x20] =	vst v4  }
0x7e: {  	v8 =	vld [tilespmem:s24+$0xFFFFFFC0];
	[tilespmem:s23+$0xFFFFFFD0] =	vst v5;
	s23 =	smov.u32 s24  }
0x7f: {  	v3 =	vld.idx.msk [tilespmem:v6+s14+$0x0], $0xffff  }
0x80: {  	v12 =	vld [tilespmem:s24+$0xFFFFFFE0]  }
0x81: {  	v4 =	vld [tilespmem:s24+$0x20]  }
.Ltmp1:
0x82: {  	v5 =	vld [tilespmem:s24+$0xFFFFFFD0];
	(pc) =	sbr.rel @p0 .LBB2_5-.Ltmp1, $3  }
0x83: {  	v6 =	vld [tilespmem:s24+$0x0];
	_ =	sdelay $0x1  }
0x84: {  	v8 =	vmul.f32 v8, v3;
	v10 =	vmul.f32 v7, v3  }
0x85: {  	v11 =	vmov s26;
	v9 =	vmul.f32 v9, v3;
	v7 =	vmul.f32 v12, v3  }
0x86: {  	[tilespmem:s23+$0x30] =	vst v10;
	v58 =	vand.u32 $0x7F, v11  }
0x87: {  	[tilespmem:s23+$0xFFFFFFC0] =	vst v8;
	v1 =	vadd.s32 v1, v58  }
0x88: {  	v2 =	vmul.f32 v2, v3;
	[tilespmem:s23+$0x10] =	vst v9;
	v1 =	vbroadcast v1, $0x0  }
0x89: {  	s24 =	sadd.s32 $0x80, s24;
	[tilespmem:s23+$0xFFFFFFE0] =	vst v7;
	v6 =	vmul.f32 v6, v3  }
0x8a: {  	v4 =	vmul.f32 v4, v3;
	v3 =	vmul.f32 v5, v3;
	v7 =	vld [tilespmem:s24+$0xFFFFFFF0];
	[tilespmem:s23+$0xFFFFFFF0] =	vst v2  }
0x8b: {  	v2 =	vld [tilespmem:s24+$0x30];
	[tilespmem:s23+$0x0] =	vst v6  }
0x8c: {  	v60 =	vld [tilespmem:s24+$0xFFFFFFC0];
	[tilespmem:s23+$0xFFFFFFD0] =	vst v3  }
0x8d: {  	v59 =	vld [tilespmem:s24+$0x10];
	[tilespmem:s23+$0x20] =	vst v4  }
0x8e: {  	v1 =	vld.idx.msk [tilespmem:v1+s14+$0x0], $0xffff;
	_ =	sdelay $0x2  }
0x8f: {  	v6 =	vld [tilespmem:s24+$0x0]  }
0x90: {  	v3 =	vld [tilespmem:s24+$0xFFFFFFE0]  }
0x91: {  	v2 =	vmul.f32 v2, v1  }
0x92: {  	v61 =	vld [tilespmem:s24+$0x20];
	v4 =	vmul.f32 v60, v1  }
0x93: {  	v62 =	vld [tilespmem:s24+$0xFFFFFFD0];
	v5 =	vmul.f32 v59, v1;
	[tilespmem:s24+$0x30] =	vst v2  }
0x94: {  	v63 =	vmul.f32 v6, v1;
	[tilespmem:s24+$0xFFFFFFC0] =	vst v4  }
0x95: {  	v2 =	vmul.f32 v3, v1;
	[tilespmem:s24+$0x10] =	vst v5  }
0x96: {  	v3 =	vmul.f32 v7, v1;
	[tilespmem:s24+$0x0] =	vst v63  }
0x97: {  	[tilespmem:s24+$0xFFFFFFE0] =	vst v2;
	v2 =	vmul.f32 v61, v1  }
0x98: {  	s21 =	sadd.s32 $0x1, s21;
	[tilespmem:s24+$0xFFFFFFF0] =	vst v3;
	v1 =	vmul.f32 v62, v1  }
0x99: {  	p0 =	sne.s32 s21, $0x50;
	[tilespmem:s24+$0x20] =	vst v2  }
.Ltmp2:
0x9a: {  	s22 =	sadd.s32 $0x2800, s22;
	[tilespmem:s24+$0xFFFFFFD0] =	vst v1;
	(pc) =	sbr.rel @p0 .LBB2_4-.Ltmp2, $4  }
0x9b: {  	[spmem:s3] =	stream.indirect.scatter.add.f32 [tilespmem:s16], [sflag:$0x2], $0x80, s22, s15, $0xb8;
	[tilespmem:$0x1F800] =	vst v63  }
0x9c: {  	_ =	swait.ge [sflag:s12], $0x4000  }
0x9d: {  	[sflag:s12] =	ssyncset.done $0x0  }
0x9e: {  	[sflag:s12] =	ssyncadd.s32 $0xFFFFC000  }
0x9f: {  	s4 =	sadd.s32 $0x1, s4  }
0xa0: {  	p0 =	sne.s32 s4, s10  }
.Ltmp3:
0xa1: {  	[bflag:$0x0] =	sbarrier.arrive $0xFFFF;
	(pc) =	sbr.rel @p0 .LBB2_1-.Ltmp3, $4  }
0xa2: {  	[hbm:s9], [sflag:s18] =	dma.local [spmem:s19], $0x2780  }
0xa3: {  	_ =	swait.ge [sflag:s12], $0x2780  }
0xa4: {  	[sflag:s12] =	ssyncset.done $0x0  }
0xa5: {  	[sflag:s12] =	ssyncadd.s32 $0xFFFFD880  }
0xa6: {  	_ =	sfence.sel $0x180000  }
0xa7: {  	[bflag:$0x0] =	sbarrier.arrive $0xFFFF  }
0xa8: {  	p0 =	sne.s32 s0, $0x0;
	_ =	strace $0x9000004A  }
0xa9: {  	s0 =	sadd.s32 @!p0 $0x100000, s1;
	[bflag:$0x2] =	sbarrier.arrive $0xFFFF  }
0xaa: {  	[sflag:s0] =	ssyncadd.tile.s32 @!p0 $0x1;
	_ =	shalt  }
.Lfunc_end2:
_tile_overlayer_lowered:
.L_overlay_start_2:
0xab: {  	(tag) =	ssettag $0x2  }
0xac: {  	s0 =	rddreg [dreg:$0x0];
	s2 =	stileid.u32  }
0xad: {  	s1 =	rddreg [dreg:$0x1];
	p0 =	sne.s32 s2, $0x0  }
0xae: {  	s3 =	rddreg [dreg:$0x2];
	[bflag:$0x3] =	sbarrier.arrive $0xFFFF;
	s2 =	simm.s32 @!p0 $0x1C02  }
0xaf: {  	[timem:s3], [sflag:s2] =	dma.local @!p0 [hbm:s0], s1  }
0xb0: {  	s0 =	simm.s32 @!p0 $0x2  }
0xb1: {  	_ =	swait.ge @!p0 [sflag:s0], s1  }
0xb2: {  	s1 =	ssub.s32 @!p0 $0x0, s1;
	[sflag:s0] =	ssyncset.done @!p0 $0x0  }
0xb3: {  	[sflag:s0] =	ssyncadd.s32 @!p0 s1  }
0xb4: {  	[bflag:$0x3] =	sbarrier.arrive $0xFFFF  }
0xb5: {  	_ =	shalt  }

// kernel: kernel.8.cloned.1.call-start
scs
__scs_entry_jumppad:
0x0: {  	(pc) =	sbr.rel $0x88, $3  }
0x1: {  	(tag) =	ssettag $0x0;
	lr =	simm.s32 $0x1  }
0x2: {  	[smem:$0x3F98] =	sst lr;
	_ =	strace $0xD0000000  }
0x3: {  	_ = 	snop  }
0x4: {  	_ = 	snop  }
0x5: {  	_ = 	snop  }
0x6: {  	_ = 	snop  }
0x7: {  	_ = 	snop  }
__scs_overlays_trampoline_lowered:
0x8: {  	[smem:$0x3FA7] =	sst s0  }
0x9: {  	[smem:$0x3FA8] =	sst s1  }
0xa: {  	[smem:$0x3FA9] =	sst s2  }
0xb: {  	[smem:$0x3FAA] =	sst s3  }
0xc: {  	[smem:$0x3FAB] =	sst s4  }
0xd: {  	[smem:$0x3FAC] =	sst s5  }
0xe: {  	[smem:$0x3FAD] =	sst s6  }
0xf: {  	[smem:$0x3FAE] =	sst s7  }
0x10: {  	[smem:$0x3FAF] =	sst s8  }
0x11: {  	[smem:$0x3FB0] =	sst s9;
	s0 =	simm.s32 @!p0 $0x0  }
0x12: {  	s1 =	sld [smem:$0x3F96];
	s0 =	simm.s32 @p0 $0x1  }
0x13: {  	[smem:$0x3FB1] =	sst s0;
	s0 =	simm.s32 @!p1 $0x0  }
0x14: {  	s2 =	sld [smem:$0x3F95];
	s0 =	simm.s32 @p1 $0x1  }
0x15: {  	[smem:$0x3FB2] =	sst s0;
	s0 =	simm.s32 @!p2 $0x0  }
0x16: {  	s3 =	sld [smem:$0x3FDB];
	s0 =	simm.s32 @p2 $0x1  }
0x17: {  	s4 =	simm.s32 $0x1BF5;
	[smem:$0x3FB4] =	sst s0  }
0x18: {  	s0 =	sld [smem:$0x3F97];
	_ =	swait.ge [sflag:s4], $0x0  }
0x19: {  	s7 =	sld [smem:$0x3F98]  }
0x1a: {  	s8 =	sadd.s32 $0xFFFFE003, lr  }
0x1b: {  	s9 =	sadd.s32 $0xFFFFFEF7, lr;
	s5 =	simm.s32 $0xFFFFFFFF;
	p2 =	slt.u32 s8, $0xFFFFF086  }
0x1c: {  	p1 =	slt.u32 s9, $0xF7A;
	s5 =	simm.s32 @!p2 $0x0  }
0x1d: {  	s5 =	simm.s32 @p1 $0x1;
	p0 =	seq.s32 s7, s2  }
0x1e: {  	s7 =	smul.u32 @!p0 $0xF7A, s2;
	p2 =	seq.s32 @!p0 s5, $0x0  }
0x1f: {  	s9 =	smul.u32 $0xF7A, s1;
	s8 =	simm.s32 @!p0 $0x1BF5;
	p2 =	por !p2, p0  }
0x20: {  	[sflag:s8] =	ssyncset.s32 @!p0 $0xFFFFF086;
	s6 =	sadd.s32 @!p0 s3, s7;
	s7 =	simm.s32 @!p0 $0x108  }
0x21: {  	s3 =	sadd.s32 s3, s9;
	s6 =	sadd.s32 @!p0 $0x88, s6;
	s7 =	simm.s32 @p2 $0x1082  }
0x22: {  	[simem:s7], [sflag:s8] =	dma.local @!p0 [hbm:s6], $0xF7A  }
0x23: {  	s9 =	sor.u32 $0xD0000000, s2;
	s6 =	simm.s32 $0x108;
	_ =	swait.ge @!p0 [sflag:s8], $0x0  }
0x24: {  	s3 =	sadd.s32 $0x88, s3;
	s6 =	simm.s32 @!p1 $0x1082;
	[sflag:s4] =	ssyncset.s32 $0xFFFFF086  }
0x25: {  	[simem:s6], [sflag:s4] =	dma.local [hbm:s3], $0xF7A  }
0x26: {  	[smem:$0x3F98] =	sst s1;
	(tag) =	ssettag s2;
	_ =	strace s9  }
0x27: {  	s1 =	sld [smem:$0x3FA8]  }
0x28: {  	s2 =	sld [smem:$0x3FA9]  }
0x29: {  	s4 =	sld [smem:$0x3FAB]  }
0x2a: {  	p0 =	seq.s32 s5, $0x0;
	s5 =	sld [smem:$0x3FAC]  }
0x2b: {  	s6 =	sld [smem:$0x3FAD]  }
0x2c: {  	s7 =	sld [smem:$0x3FAE]  }
0x2d: {  	s3 =	simm.s32 $0x108;
	s8 =	sld [smem:$0x3FAF]  }
0x2e: {  	s3 =	simm.s32 @!p0 $0x1082;
	s9 =	sld [smem:$0x3FB0]  }
0x2f: {  	lr =	sadd.s32 s0, s3;
	s0 =	sld [smem:$0x3FA7]  }
0x30: {  	s3 =	sld [smem:$0x3FAA]  }
0x31: {  	[smem:$0x3FB3] =	sst s10  }
0x32: {  	s10 =	sld [smem:$0x3FB1];
	_ =	sdelay $0x3  }
0x33: {  	p0 =	seq.s32 s10, $0x1;
	s10 =	sld [smem:$0x3FB3];
	_ =	sdelay $0x3  }
0x34: {  	[smem:$0x3FB3] =	sst s10  }
0x35: {  	s10 =	sld [smem:$0x3FB2];
	_ =	sdelay $0x3  }
0x36: {  	p1 =	seq.s32 s10, $0x1;
	s10 =	sld [smem:$0x3FB3];
	_ =	sdelay $0x3  }
0x37: {  	[smem:$0x3FB3] =	sst s10  }
0x38: {  	s10 =	sld [smem:$0x3FB4]  }
0x39: {  	_ = 	snop;
	(pc) =	sbr.ind lr, $3  }
0x3a: {  	_ = 	snop  }
0x3b: {  	_ = 	snop  }
0x3c: {  	p2 =	seq.s32 s10, $0x1;
	s10 =	sld [smem:$0x3FB3]  }
0x3d: {  	_ =	shalt  }
0x3e: {  	_ =	shalt  }
0x3f: {  	_ =	shalt  }
0x40: {  	_ =	shalt  }
0x41: {  	_ =	shalt  }
0x42: {  	_ =	shalt  }
0x43: {  	_ =	shalt  }
0x44: {  	_ =	shalt  }
0x45: {  	_ =	shalt  }
0x46: {  	_ =	shalt  }
0x47: {  	_ =	shalt  }
0x48: {  	_ =	shalt  }
0x49: {  	_ =	shalt  }
0x4a: {  	_ =	shalt  }
0x4b: {  	_ =	shalt  }
0x4c: {  	_ =	shalt  }
0x4d: {  	_ =	shalt  }
0x4e: {  	_ =	shalt  }
0x4f: {  	_ =	shalt  }
0x50: {  	_ =	shalt  }
0x51: {  	_ =	shalt  }
0x52: {  	_ =	shalt  }
0x53: {  	_ =	shalt  }
0x54: {  	_ =	shalt  }
0x55: {  	_ =	shalt  }
0x56: {  	_ =	shalt  }
0x57: {  	_ =	shalt  }
0x58: {  	_ =	shalt  }
0x59: {  	_ =	shalt  }
0x5a: {  	_ =	shalt  }
0x5b: {  	_ =	shalt  }
0x5c: {  	_ =	shalt  }
0x5d: {  	_ =	shalt  }
0x5e: {  	_ =	shalt  }
0x5f: {  	_ =	shalt  }
0x60: {  	_ =	shalt  }
0x61: {  	_ =	shalt  }
0x62: {  	_ =	shalt  }
0x63: {  	_ =	shalt  }
0x64: {  	_ =	shalt  }
0x65: {  	_ =	shalt  }
0x66: {  	_ =	shalt  }
0x67: {  	_ =	shalt  }
0x68: {  	_ =	shalt  }
0x69: {  	_ =	shalt  }
0x6a: {  	_ =	shalt  }
0x6b: {  	_ =	shalt  }
0x6c: {  	_ =	shalt  }
0x6d: {  	_ =	shalt  }
0x6e: {  	_ =	shalt  }
0x6f: {  	_ =	shalt  }
0x70: {  	_ =	shalt  }
0x71: {  	_ =	shalt  }
0x72: {  	_ =	shalt  }
0x73: {  	_ =	shalt  }
0x74: {  	_ =	shalt  }
0x75: {  	_ =	shalt  }
0x76: {  	_ =	shalt  }
0x77: {  	_ =	shalt  }
0x78: {  	_ =	shalt  }
0x79: {  	_ =	shalt  }
0x7a: {  	_ =	shalt  }
0x7b: {  	_ =	shalt  }
0x7c: {  	_ =	shalt  }
0x7d: {  	_ =	shalt  }
0x7e: {  	_ =	shalt  }
0x7f: {  	_ =	shalt  }
0x80: {  	_ =	shalt  }
0x81: {  	_ =	shalt  }
0x82: {  	_ =	shalt  }
0x83: {  	_ =	shalt  }
0x84: {  	_ =	shalt  }
0x85: {  	_ =	shalt  }
0x86: {  	_ =	shalt  }
0x87: {  	_ =	shalt  }
.Lfunc_end0:
.L_simem_size_0:
called_computation_lowered:
.L_overlay_start_0:
0x88: {  	s2 =	sld [smem:$0x3FD9]  }
0x89: {  	s3 =	sld [smem:$0x3FFE];
	_ =	sdelay $0x1  }
0x8a: {  	s1 =	srdreg.scid  }
0x8b: {  	s0 =	sand.u32 $0x1, s1  }
0x8c: {  	s17 =	sshll.u32 s0, $0xA;
	s2 =	sadd.s32 s3, s2  }
0x8d: {  	s2 =	sadd.s32 s2, s17  }
0x8e: {  	[smem:$0x3FBF] =	sst s2  }
0x8f: {  	_ = 	snop  }
0x90: {  	s2 =	sld [smem:$0x3FD0];
	(tm) =	ssettm $0x1  }
0x91: {  	s18 =	sld [smem:$0x3FFB];
	_ =	sdelay $0x3  }
0x92: {  	_ =	strace s18  }
0x93: {  	s3 =	sld [smem:$0x3FFC];
	_ =	sdelay $0x3  }
0x94: {  	_ =	strace s3  }
0x95: {  	s3 =	sld [smem:$0x3FFD];
	_ =	sdelay $0x3  }
0x96: {  	_ =	strace s3  }
0x97: {  	_ =	strace $0x8FFFFFFF  }
0x98: {  	s19 =	sld [smem:$0x3FDB];
	_ =	sdelay $0x1  }
0x99: {  	s4 =	simm.s32 $_scs_section_size  }
0x9a: {  	s5 =	simm.s32 $_size__tile_overlayer_lowered;
	s6 =	simm.s32 $_tile_overlayer_lowered  }
0x9b: {  	s22 =	simm.s32 $0x1BFF;
	s21 =	sshll.u32 s6, $0x1;
	s3 =	sadd.s32 s4, s19  }
0x9c: {  	s7 =	simm.s32 $0x0;
	s20 =	sshll.u32 s5, $0x1;
	s5 =	sadd.s32 s21, s3  }
0x9d: {  	[timem:s7], [sflag:s22] =	dma.local [hbm:s5], s20  }
0x9e: {  	_ =	swait.ge [sflag:s22], s20  }
0x9f: {  	s4 =	ssub.s32 $0x0, s20;
	[sflag:s22] =	ssyncset.done $0x0  }
0xa0: {  	[sflag:s22] =	ssyncadd.s32 s4;
	_ =	sdelay $0x1  }
0xa1: {  	s23 =	simm.s32 $0x1B8B  }
0xa2: {  	_ =	swait.ge [sflag:s23], $0x1  }
0xa3: {  	[sflag:s23] =	ssyncset.done $0x0  }
0xa4: {  	s25 =	simm.s32 $0x1B8E;
	s24 =	sld [smem:$0x3FFE];
	[sflag:s23] =	ssyncadd.s32 $0xFFFFFFFF  }
0xa5: {  	s26 =	simm.s32 $execute0_lowered;
	[smem:$0x3FD2] =	sst s25  }
0xa6: {  	s5 =	sshll.u32 s26, $0x1;
	_ =	strace $0x80000046;
	[dreg:$0x1] =	wrdreg $0xFFFFFFFF  }
0xa7: {  	s28 =	simm.s32 $_size_execute0_lowered;
	s3 =	sadd.s32 s3, s5;
	[dreg:$0x0] =	wrdreg $0x0  }
0xa8: {  	s5 =	sshll.u32 s28, $0x1;
	[dreg:$0x2] =	wrdreg s3  }
0xa9: {  	[dreg:$0x3] =	wrdreg s5  }
0xaa: {  	[dreg:$0x4] =	wrdreg $0xC0  }
0xab: {  	_ =	task [dreg:s7], $0x5FFFF  }
0xac: {  	[dreg:$0x1] =	wrdreg $0xFFFFFFFF  }
0xad: {  	[dreg:$0x0] =	wrdreg $0x60  }
0xae: {  	[dreg:$0x2] =	wrdreg s24  }
0xaf: {  	[dreg:$0x3] =	wrdreg s2  }
0xb0: {  	[dreg:$0x4] =	wrdreg $0x9  }
0xb1: {  	_ =	task.clear_ibuf [dreg:s7], $0x5FFFF;
	_ =	strace $0x90000046  }
0xb2: {  	s29 =	simm.s32 $0x9;
	_ =	strace $0x80000048  }
0xb3: {  	_ =	swait.ge [sflag:s29], $0x1  }
0xb4: {  	[sflag:s29] =	ssyncadd.s32 $0xFFFFFFFF  }
0xb5: {  	_ =	strace $0x90000048  }
0xb6: {  	_ =	sfence  }
0xb7: {  	s30 =	sld [smem:$0x0];
	_ =	sdelay $0x2  }
0xb8: {  	s31 =	sshll.u32 s1, $0xD;
	s1 =	sshrl.u32 s1, $0x2  }
0xb9: {  	s3 =	sand.u32 $0x4000, s31;
	s1 =	sadd.s32 s1, s30  }
0xba: {  	s0 =	sor.u32 s3, s0;
	s1 =	sshll.u32 s1, $0x11  }
0xbb: {  	s0 =	sor.u32 s1, s0  }
0xbc: {  	s0 =	sadd.s32 $0x8F2B, s0  }
0xbd: {  	[sflag:s0] =	ssyncadd.remote.s32 $0x1  }
0xbe: {  	_ =	sfence.sel $0xFFFF  }
0xbf: {  	[dreg:$0x0] =	wrdreg $0xFFFFFFFF;
	(pc) =	sbr.abs _section_cstart, $3  }
0xc0: {  	[dreg:$0x1] =	wrdreg $0xFFFFFFFF  }
0xc1: {  	_ =	task.clear_ibuf [dreg:s7], $0x2FFFF;
	_ =	strace $0x9FFFFFFF  }
0xc2: {  	(tm) =	ssettm $0x7FFFFFFF  }
0xc3: {  	_ =	shalt  }
tec
execute0_lowered:
.L_overlay_start_1:
0x0: {  	(tag) =	ssettag $0x1  }
0x1: {  	s3 =	rddreg [dreg:$0x0]  }
0x2: {  	s5 =	rddreg [dreg:$0x1]  }
0x3: {  	s2 =	srdreg.scid;
	s1 =	stileid.u32  }
0x4: {  	s0 =	rddreg [dreg:$0x2];
	s10 =	simm.s32 $0x80;
	s11 =	simm.s32 $0x400  }
0x5: {  	s4 =	sand.u32 $0x1, s2;
	s6 =	sshll.u32 s1, $0x1;
	s2 =	simm.s32 $0x0  }
0x6: {  	s7 =	sshrl.u32 s1, $0x2;
	s6 =	sor.u32 s4, s6;
	[smem:$0x7FF] =	sst s2  }
0x7: {  	s7 =	smul.u32 $0x13C00, s7;
	s4 =	ssub.s32 $0x2, s4;
	s8 =	sshll.u32 s6, $0x7  }
0x8: {  	s6 =	smul.u32 $0x500, s6;
	_ =	strace $0x80000047;
	s9 =	sshrl.u32 s4, $0x1  }
0x9: {  	s8 =	sand.u32 $0x380, s8;
	s31 =	ssub.s32 s4, s9;
	s9 =	simm.s32 $0x5000  }
0xa: {  	s7 =	sor.u32 s7, s8;
	s6 =	sadd.s32 s6, s3;
	s8 =	simm.s32 $0x2800  }
0xb: {  	s7 =	sshrl.u32 s7, $0x3;
	s3 =	sadd.s32 $0x15A00, s6;
	s4 =	sadd.s32 $0xBA00, s6  }
0xc: {  	v0 =	vimm.f32 $0.0e+00;
	s6 =	smax.u32 s31, $0x1;
	s5 =	sadd.s32 s5, s7;
	s7 =	simm.s32 $0x1  }
.LBB2_1:
0xd: {  	s12 =	simm.s32 $0x40;
	s13 =	simm.s32 $0x0  }
.LBB2_2:
0xe: {  	p0 =	sne.s32 s12, $0x9DC0;
	[tilespmem:s13+$0x5000] =	vst v0;
	s13 =	smov.u32 s12;
	s12 =	sadd.s32 $0x40, s12  }
.Ltmp0:
0xf: {  	(pc) =	sbr.rel @p0 .LBB2_2-.Ltmp0, $2  }
0x10: {  	_ =	sdelay $0x2  }
0x11: {  	s13 =	sshra.s32 s13, $0x2  }
0x12: {  	[tilespmem:s13+$0x5000] =	vst v0;
	s12 =	simm.s32 $0x0  }
0x13: {  	[tilespmem:s12], [sflag:$0x1] =	stream.linear.gather [hbm4b:s3+s12], $0x2800, $0x38;
	[tilespmem:$0x7780] =	vst v63  }
0x14: {  	_ =	swait.ge [sflag:s7], $0x2800  }
0x15: {  	[sflag:s7] =	ssyncset.done $0x0  }
0x16: {  	[sflag:s7] =	ssyncadd.s32 $0xFFFFD800  }
0x17: {  	[tilespmem:s8], [sflag:$0x1] =	stream.linear.gather [hbm4b:s4+s12], $0x2800, $0x38;
	[tilespmem:$0x7780] =	vst v63  }
0x18: {  	_ =	swait.ge [sflag:s7], $0x2800  }
0x19: {  	[sflag:s7] =	ssyncset.done $0x0  }
0x1a: {  	[sflag:s7] =	ssyncadd.s32 $0xFFFFD800  }
.LBB2_4:
0x1b: {  	s13 =	sshra.s32 s12, $0x2  }
0x1c: {  	v1 =	vld [tilespmem:s13+$0x0];
	_ =	sdelay $0x2  }
0x1d: {  	v2 =	vld [tilespmem:s13+$0x2800];
	_ =	sdelay $0x4  }
0x1e: {  	[tilespmem:v1+s9+$0x0] =	vst.idx.add.f32.msk $0xffff, v2  }
0x1f: {  	v1 =	vld [tilespmem:s13+$0x10];
	_ =	sdelay $0x2  }
0x20: {  	v2 =	vld [tilespmem:s13+$0x2810];
	_ =	sdelay $0x4  }
0x21: {  	[tilespmem:v1+s9+$0x0] =	vst.idx.add.f32.msk $0xffff, v2  }
0x22: {  	v1 =	vld [tilespmem:s13+$0x20];
	_ =	sdelay $0x2  }
0x23: {  	v2 =	vld [tilespmem:s13+$0x2820];
	_ =	sdelay $0x4  }
0x24: {  	[tilespmem:v1+s9+$0x0] =	vst.idx.add.f32.msk $0xffff, v2  }
0x25: {  	v1 =	vld [tilespmem:s13+$0x30];
	_ =	sdelay $0x2  }
0x26: {  	v2 =	vld [tilespmem:s13+$0x2830];
	_ =	sdelay $0x4  }
0x27: {  	[tilespmem:v1+s9+$0x0] =	vst.idx.add.f32.msk $0xffff, v2  }
0x28: {  	v1 =	vld [tilespmem:s13+$0x40];
	_ =	sdelay $0x2  }
0x29: {  	v2 =	vld [tilespmem:s13+$0x2840];
	_ =	sdelay $0x4  }
0x2a: {  	[tilespmem:v1+s9+$0x0] =	vst.idx.add.f32.msk $0xffff, v2  }
0x2b: {  	v1 =	vld [tilespmem:s13+$0x50];
	_ =	sdelay $0x2  }
0x2c: {  	v2 =	vld [tilespmem:s13+$0x2850];
	_ =	sdelay $0x4  }
0x2d: {  	[tilespmem:v1+s9+$0x0] =	vst.idx.add.f32.msk $0xffff, v2  }
0x2e: {  	v1 =	vld [tilespmem:s13+$0x60];
	_ =	sdelay $0x2  }
0x2f: {  	v2 =	vld [tilespmem:s13+$0x2860];
	_ =	sdelay $0x4  }
0x30: {  	[tilespmem:v1+s9+$0x0] =	vst.idx.add.f32.msk $0xffff, v2  }
0x31: {  	v1 =	vld [tilespmem:s13+$0x70];
	_ =	sdelay $0x2  }
0x32: {  	p0 =	sne.s32 s12, $0x9E00;
	v2 =	vld [tilespmem:s13+$0x2870]  }
.Ltmp1:
0x33: {  	_ = 	snop;
	(pc) =	sbr.rel @p0 .LBB2_4-.Ltmp1, $2  }
0x34: {  	_ =	sdelay $0x2  }
0x35: {  	s12 =	sadd.s32 $0x200, s12;
	[tilespmem:v1+s9+$0x0] =	vst.idx.add.f32.msk $0xffff, v2  }
0x36: {  	s2 =	sadd.s32 $0x1, s2  }
0x37: {  	p0 =	sne.s32 s2, s6  }
.Ltmp2:
0x38: {  	_ = 	snop;
	(pc) =	sbr.rel @p0 .LBB2_1-.Ltmp2, $4  }
0x39: {  	[hbm4b:s5+s10] =	stream.strided.scatter [tilespmem:s9], [sflag:$0x1], $0x2780, s11, s10, $0x38;
	[tilespmem:$0x7780] =	vst v63  }
0x3a: {  	_ =	swait.ge [sflag:s7], $0x2780  }
0x3b: {  	[sflag:s7] =	ssyncset.done $0x0  }
0x3c: {  	[sflag:s7] =	ssyncadd.s32 $0xFFFFD880  }
0x3d: {  	_ =	sfence.sel $0x180000  }
0x3e: {  	[bflag:$0x0] =	sbarrier.arrive $0xFFFF  }
0x3f: {  	p0 =	sne.s32 s1, $0x0;
	_ =	strace $0x90000047  }
0x40: {  	s0 =	sadd.s32 @!p0 $0x100000, s0;
	[bflag:$0x2] =	sbarrier.arrive $0xFFFF  }
0x41: {  	[sflag:s0] =	ssyncadd.tile.s32 @!p0 $0x1;
	_ =	shalt  }
.Lfunc_end2:
_tile_overlayer_lowered:
.L_overlay_start_2:
0x42: {  	(tag) =	ssettag $0x2  }
0x43: {  	s0 =	rddreg [dreg:$0x0];
	s2 =	stileid.u32  }
0x44: {  	s1 =	rddreg [dreg:$0x1];
	p0 =	sne.s32 s2, $0x0  }
0x45: {  	s3 =	rddreg [dreg:$0x2];
	[bflag:$0x3] =	sbarrier.arrive $0xFFFF;
	s2 =	simm.s32 @!p0 $0x1C01  }
0x46: {  	[timem:s3], [sflag:s2] =	dma.local @!p0 [hbm:s0], s1  }
0x47: {  	s0 =	simm.s32 @!p0 $0x1  }
0x48: {  	_ =	swait.ge @!p0 [sflag:s0], s1  }
0x49: {  	s1 =	ssub.s32 @!p0 $0x0, s1;
	[sflag:s0] =	ssyncset.done @!p0 $0x0  }
0x4a: {  	[sflag:s0] =	ssyncadd.s32 @!p0 s1  }
0x4b: {  	[bflag:$0x3] =	sbarrier.arrive $0xFFFF  }
0x4c: {  	_ =	shalt  }

</sc_bundles>
